<compile_context>
chip_gen: v7x
topology: tpu7x:2x2x1
jax: 0.10.2.dev20260603
libtpu: 0.0.44.dev20260713+nightly
codegen_flags: <defaults>
</compile_context>

<pallas_src>
import functools

import jax
import jax.numpy as jnp
from jax import lax
from jax.experimental import pallas as pl
from jax.experimental.pallas import tpu as pltpu
from jax.experimental.pallas import tpu_sc as plsc

N = 10000
D = 128
E = 320000

NC = 2
NS = 16
NW = NC * NS
CH = 128
NCHUNK = -(-E // (NW * CH))
NCH0 = 130
NCH1 = 2 * NCHUNK - NCH0
E_PAD = NS * (NCH0 + NCH1) * CH
AGG_ROWS = 10112
ZROWS = AGG_ROWS // NS


def _sc_segment_sum(h, edges3):
    mesh = plsc.VectorSubcoreMesh(core_axis_name="c", subcore_axis_name="s")

    @functools.partial(
        pl.kernel,
        mesh=mesh,
        out_type=jax.ShapeDtypeStruct((NC, AGG_ROWS, D), jnp.float32),
        scratch_types=[
            pltpu.VMEM((3, 2, CH), jnp.int32),
            pltpu.VMEM((2, CH, D), jnp.float32),
            pltpu.VMEM_SHARED((AGG_ROWS, D), jnp.float32),
        ] + [pltpu.SemaphoreType.DMA] * 2,
    )
    def sc_kernel(h_hbm, e_hbm, out_hbm, idx_v, rows_v, agg_sp, *sems):
        gsem, isem = sems
        c = lax.axis_index("c")
        s = lax.axis_index("s")
        nch = jnp.where(c == 0, NCH0, NCH1)
        base = jnp.where(c == 0, s * NCH0, NS * NCH0 + s * NCH1)
        pltpu.sync_copy(e_hbm.at[base], idx_v.at[0])
        pltpu.async_copy(e_hbm.at[base + 1], idx_v.at[1], isem)
        pltpu.async_copy(h_hbm.at[idx_v.at[0, 0]], rows_v.at[0], gsem)

        zvec = jnp.zeros((16,), jnp.float32)

        def zbody(i, carry):
            for k in range(D // 16):
                rows_v[1, i, pl.ds(k * 16, 16)] = zvec
            return carry

        lax.fori_loop(0, CH, zbody, 0)
        full, rem = divmod(ZROWS, CH)
        for t in range(full):
            pltpu.sync_copy(rows_v.at[1],
                            agg_sp.at[pl.ds(s * ZROWS + t * CH, CH)])
        if rem:
            pltpu.sync_copy(rows_v.at[1, pl.ds(0, rem)],
                            agg_sp.at[pl.ds(s * ZROWS + full * CH, rem)])
        plsc.subcore_barrier()

        def body(j, carry):
            p = lax.rem(j, 2)
            sj = lax.rem(j, 3)
            sn = lax.rem(j + 1, 3)
            sp = lax.rem(j + 2, 3)

            pltpu.make_async_copy(h_hbm.at[idx_v.at[sj, 0]], rows_v.at[p],
                                  gsem).wait()

            @pl.when(j + 1 < nch)
            def _():
                pltpu.make_async_copy(e_hbm.at[base + j + 1], idx_v.at[sn],
                                      isem).wait()
                pltpu.async_copy(h_hbm.at[idx_v.at[sn, 0]], rows_v.at[1 - p],
                                 gsem)

            @pl.when(j + 2 < nch)
            def _():
                pltpu.async_copy(e_hbm.at[base + j + 2], idx_v.at[sp], isem)

            pltpu.sync_copy(rows_v.at[p], agg_sp.at[idx_v.at[sj, 1]], add=True)
            return carry

        lax.fori_loop(0, nch, body, 0)
        plsc.subcore_barrier()
        pltpu.sync_copy(agg_sp.at[pl.ds(s * ZROWS, ZROWS)],
                        out_hbm.at[c, pl.ds(s * ZROWS, ZROWS)])

    return sc_kernel(h, edges3)


def _dense_body(p_ref, h_ref, c_ref, wr_ref, wt_ref, b_ref, hn_ref, cn_ref):
    agg = p_ref[0] + p_ref[1]
    g = (jnp.dot(agg, wr_ref[...], preferred_element_type=jnp.float32)
         + jnp.dot(h_ref[...], wt_ref[...], preferred_element_type=jnp.float32)
         + b_ref[...])
    z = jnp.tanh(g[:, 0:D])
    i = jax.nn.sigmoid(g[:, D:2 * D])
    f = jax.nn.sigmoid(g[:, 2 * D:3 * D])
    o = jax.nn.sigmoid(g[:, 3 * D:4 * D])
    cn = f * c_ref[...] + i * z
    cn_ref[...] = cn
    hn_ref[...] = o * jnp.tanh(cn)


def _dense(partials, h, c, w_rel, w_root, b):
    blk = 1000
    grid = N // blk
    return pl.pallas_call(
        _dense_body,
        grid=(grid,),
        in_specs=[
            pl.BlockSpec((NC, blk, D), lambda n: (0, n, 0)),
            pl.BlockSpec((blk, D), lambda n: (n, 0)),
            pl.BlockSpec((blk, D), lambda n: (n, 0)),
            pl.BlockSpec((D, 4 * D), lambda n: (0, 0)),
            pl.BlockSpec((D, 4 * D), lambda n: (0, 0)),
            pl.BlockSpec((1, 4 * D), lambda n: (0, 0)),
        ],
        out_specs=[
            pl.BlockSpec((blk, D), lambda n: (n, 0)),
            pl.BlockSpec((blk, D), lambda n: (n, 0)),
        ],
        out_shape=[
            jax.ShapeDtypeStruct((N, D), jnp.float32),
            jax.ShapeDtypeStruct((N, D), jnp.float32),
        ],
    )(partials, h, c, w_rel, w_root, b)


def kernel(h, c, row, col, batch, Wz_root, bz, Wz_rel, Wi_root, bi, Wi_rel,
           Wf_root, bf, Wf_rel, Wo_root, bo, Wo_rel):
    pad = E_PAD - E
    row_p = jnp.concatenate([row, jnp.zeros((pad,), jnp.int32)])
    col_p = jnp.concatenate([col, jnp.full((pad,), N, jnp.int32)])
    edges3 = jnp.concatenate(
        [row_p.reshape(NW * NCHUNK, 1, CH), col_p.reshape(NW * NCHUNK, 1, CH)],
        axis=1)

    w_rel = jnp.concatenate(
        [Wz_rel.T, Wi_rel.T, Wf_rel.T, Wo_rel.T], axis=1)
    w_root = jnp.concatenate(
        [Wz_root.T, Wi_root.T, Wf_root.T, Wo_root.T], axis=1)
    b = jnp.concatenate([bz, bi, bf, bo]).reshape(1, 4 * D)

    partials = _sc_segment_sum(h, edges3)

    h_new, c_new = _dense(partials, h, c, w_rel, w_root, b)
    return (h_new, c_new)

# --- scband reference (transcript-rebuilt; emitter-appended) ---
"""Pipeline reference for scband-node-conv-73650099192497 (READ-ONLY COPY).

The authoritative reference and input builder live on the scoring server;
editing this copy changes nothing except your own understanding.
"""

import jax, jax.numpy as jnp
import numpy as np

N = 10000
E = 320000
D = 128


def setup_inputs(seed: int = 0) -> dict:
    key = jax.random.key(seed)
    ks = jax.random.split(key, 20)
    inp = {}
    inp["h"] = jax.random.normal(ks[0], (N, D), dtype=jnp.float32)
    inp["c"] = jax.random.normal(ks[1], (N, D), dtype=jnp.float32)
    inp["row"] = jax.random.randint(ks[2], (E,), 0, N, dtype=jnp.int32)
    inp["col"] = jax.random.randint(ks[3], (E,), 0, N, dtype=jnp.int32)
    inp["batch"] = jnp.zeros((N,), dtype=jnp.int32)
    s = 0.05
    inp["Wz_root"] = jax.random.normal(ks[4], (D, D), dtype=jnp.float32) * s
    inp["bz"] = jnp.zeros((D,), dtype=jnp.float32)
    inp["Wz_rel"] = jax.random.normal(ks[5], (D, D), dtype=jnp.float32) * s
    inp["Wi_root"] = jax.random.normal(ks[6], (D, D), dtype=jnp.float32) * s
    inp["bi"] = jnp.zeros((D,), dtype=jnp.float32)
    inp["Wi_rel"] = jax.random.normal(ks[7], (D, D), dtype=jnp.float32) * s
    inp["Wf_root"] = jax.random.normal(ks[8], (D, D), dtype=jnp.float32) * s
    inp["bf"] = jnp.zeros((D,), dtype=jnp.float32)
    inp["Wf_rel"] = jax.random.normal(ks[9], (D, D), dtype=jnp.float32) * s
    inp["Wo_root"] = jax.random.normal(ks[10], (D, D), dtype=jnp.float32) * s
    inp["bo"] = jnp.zeros((D,), dtype=jnp.float32)
    inp["Wo_rel"] = jax.random.normal(ks[11], (D, D), dtype=jnp.float32) * s
    return inp


def reference(h, c, row, col, batch, Wz_root, bz, Wz_rel, Wi_root, bi, Wi_rel, Wf_root, bf, Wf_rel, Wo_root, bo, Wo_rel):
    # agg = scatter_sum(h[row] -> col), dim_size = N
    agg = jax.ops.segment_sum(jnp.take(h, row, axis=0), col, num_segments=h.shape[0])
    z = jnp.tanh(agg @ Wz_rel.T + h @ Wz_root.T + bz)
    i = jax.nn.sigmoid(agg @ Wi_rel.T + h @ Wi_root.T + bi)
    f = jax.nn.sigmoid(agg @ Wf_rel.T + h @ Wf_root.T + bf)
    o = jax.nn.sigmoid(agg @ Wo_rel.T + h @ Wo_root.T + bo)
    c_new = f * c + i * z
    h_new = o * jnp.tanh(c_new)
    return (h_new, c_new)

if __name__ == "__main__":
    import jax
    _d = setup_inputs()
    print(jax.jit(kernel)(*tuple(_d.values())))

</pallas_src>

<mosaic_0001>
#map = affine_map<(d0, d1) -> (0, 0)>
#map1 = affine_map<(d0, d1) -> (0, 0, 0)>
module attributes {stable_mosaic.version = 14 : i64} {
  func.func @sc_kernel(%arg0: i32, %arg1: i32, %arg2: memref<10000x128xf32, #tpu.memory_space<hbm>>, %arg3: memref<2528x2x128xi32, #tpu.memory_space<hbm>>, %arg4: memref<2x10112x128xf32, #tpu.memory_space<hbm>>, %arg5: memref<3x2x128xi32, #tpu.memory_space<vmem>>, %arg6: memref<2x128x128xf32, #tpu.memory_space<vmem>>, %arg7: memref<10112x128xf32, #tpu.memory_space<vmem_shared>>, %arg8: memref<!tpu.dma_semaphore, #tpu.memory_space<semaphore_mem>>, %arg9: memref<!tpu.dma_semaphore, #tpu.memory_space<semaphore_mem>>) attributes {dimension_semantics = [#tpu.dimension_semantics<core_parallel>, #tpu.dimension_semantics<subcore_parallel>], iteration_bounds = array<i64: 2, 16>, scalar_prefetch = 0 : i64, scratch_operands = 5 : i64, tpu.core_type = #tpu.core_type<sc_vector_subcore>, window_params = [{transform_indices = #map}, {transform_indices = #map1}, {transform_indices = #map1}]} {
    %eq3A = arith.constant 0 : i32
    %eq3A_0 = arith.cmpi eq, %arg0, %eq3A : i32
    %jit3A = arith.constant 130 : i32
    %jit3A_1 = arith.constant 28 : i32
    %select_n3A = arith.select %eq3A_0, %jit3A, %jit3A_1 : i32
    %eq3A_2 = arith.constant 0 : i32
    %eq3A_3 = arith.cmpi eq, %arg0, %eq3A_2 : i32
    %mul3A = arith.constant 130 : i32
    %mul3A_4 = arith.muli %arg1, %mul3A : i32
    %mul3A_5 = arith.constant 28 : i32
    %mul3A_6 = arith.muli %arg1, %mul3A_5 : i32
    %add3A = arith.constant 2080 : i32
    %add3A_7 = arith.addi %add3A, %mul3A_6 : i32
    %select_n3A_8 = arith.select %eq3A_3, %mul3A_4, %add3A_7 : i32
    %run_scoped3A = arith.constant 0 : i32
    "tpu.region"() ({
      %run_scoped3A_85 = tpu.sem_alloc : memref<!tpu.dma_semaphore, #tpu.memory_space<semaphore_mem>>
      %dma_start3A_86 = arith.constant 0 : i32
      %dma_start3A_87 = arith.constant 0 : i32
      %dma_start3A_88 = tpu.memref_slice %arg5[%run_scoped3A, %dma_start3A_86, %dma_start3A_87] : memref<3x2x128xi32, #tpu.memory_space<vmem>> -> memref<1x2x128xi32, #tpu.memory_space<vmem>>
      %dma_start3A_89 = tpu.memref_squeeze %dma_start3A_88 : memref<1x2x128xi32, #tpu.memory_space<vmem>> -> memref<2x128xi32, #tpu.memory_space<vmem>>
      %dma_start3A_90 = arith.constant 0 : i32
      %dma_start3A_91 = arith.constant 0 : i32
      %dma_start3A_92 = tpu.memref_slice %arg3[%select_n3A_8, %dma_start3A_90, %dma_start3A_91] : memref<2528x2x128xi32, #tpu.memory_space<hbm>> -> memref<1x2x128xi32, #tpu.memory_space<hbm>>
      %dma_start3A_93 = tpu.memref_squeeze %dma_start3A_92 : memref<1x2x128xi32, #tpu.memory_space<hbm>> -> memref<2x128xi32, #tpu.memory_space<hbm>>
      %dma_start3A_94 = arith.constant 0 : i32
      %dma_start3A_95 = arith.constant 0 : i32
      %dma_start3A_96 = tpu.memref_slice %arg5[%run_scoped3A, %dma_start3A_94, %dma_start3A_95] : memref<3x2x128xi32, #tpu.memory_space<vmem>> -> memref<1x2x128xi32, #tpu.memory_space<vmem>>
      %dma_start3A_97 = tpu.memref_squeeze %dma_start3A_96 : memref<1x2x128xi32, #tpu.memory_space<vmem>> -> memref<2x128xi32, #tpu.memory_space<vmem>>
      %dma_start3A_98 = arith.constant 0 : i32
      %dma_start3A_99 = arith.constant 0 : i32
      %dma_start3A_100 = tpu.memref_slice %arg3[%select_n3A_8, %dma_start3A_98, %dma_start3A_99] : memref<2528x2x128xi32, #tpu.memory_space<hbm>> -> memref<1x2x128xi32, #tpu.memory_space<hbm>>
      %dma_start3A_101 = tpu.memref_squeeze %dma_start3A_100 : memref<1x2x128xi32, #tpu.memory_space<hbm>> -> memref<2x128xi32, #tpu.memory_space<hbm>>
      tpu.enqueue_dma source(%dma_start3A_101 : memref<2x128xi32, #tpu.memory_space<hbm>>) target(%dma_start3A_97 : memref<2x128xi32, #tpu.memory_space<vmem>>) target_semaphore(%run_scoped3A_85 : memref<!tpu.dma_semaphore, #tpu.memory_space<semaphore_mem>>)
      %dma_wait3A = arith.constant 0 : i32
      %dma_wait3A_102 = arith.constant 0 : i32
      %dma_wait3A_103 = tpu.memref_slice %arg5[%run_scoped3A, %dma_wait3A, %dma_wait3A_102] : memref<3x2x128xi32, #tpu.memory_space<vmem>> -> memref<1x2x128xi32, #tpu.memory_space<vmem>>
      %dma_wait3A_104 = tpu.memref_squeeze %dma_wait3A_103 : memref<1x2x128xi32, #tpu.memory_space<vmem>> -> memref<2x128xi32, #tpu.memory_space<vmem>>
      %dma_wait3A_105 = arith.constant 0 : i32
      %dma_wait3A_106 = arith.constant 0 : i32
      %dma_wait3A_107 = tpu.memref_slice %arg3[%select_n3A_8, %dma_wait3A_105, %dma_wait3A_106] : memref<2528x2x128xi32, #tpu.memory_space<hbm>> -> memref<1x2x128xi32, #tpu.memory_space<hbm>>
      %dma_wait3A_108 = tpu.memref_squeeze %dma_wait3A_107 : memref<1x2x128xi32, #tpu.memory_space<hbm>> -> memref<2x128xi32, #tpu.memory_space<hbm>>
      %dma_wait3A_109 = arith.constant 0 : i32
      %dma_wait3A_110 = arith.constant 0 : i32
      %dma_wait3A_111 = tpu.memref_slice %arg5[%run_scoped3A, %dma_wait3A_109, %dma_wait3A_110] : memref<3x2x128xi32, #tpu.memory_space<vmem>> -> memref<1x2x128xi32, #tpu.memory_space<vmem>>
      %dma_wait3A_112 = tpu.memref_squeeze %dma_wait3A_111 : memref<1x2x128xi32, #tpu.memory_space<vmem>> -> memref<2x128xi32, #tpu.memory_space<vmem>>
      %dma_wait3A_113 = arith.constant 0 : i32
      %dma_wait3A_114 = arith.constant 0 : i32
      %dma_wait3A_115 = tpu.memref_slice %arg3[%select_n3A_8, %dma_wait3A_113, %dma_wait3A_114] : memref<2528x2x128xi32, #tpu.memory_space<hbm>> -> memref<1x2x128xi32, #tpu.memory_space<hbm>>
      %dma_wait3A_116 = tpu.memref_squeeze %dma_wait3A_115 : memref<1x2x128xi32, #tpu.memory_space<hbm>> -> memref<2x128xi32, #tpu.memory_space<hbm>>
      tpu.wait_dma2 semaphore(%run_scoped3A_85 : memref<!tpu.dma_semaphore, #tpu.memory_space<semaphore_mem>>) src(%dma_wait3A_116 : memref<2x128xi32, #tpu.memory_space<hbm>>) dst(%dma_wait3A_112 : memref<2x128xi32, #tpu.memory_space<vmem>>)
      tpu.yield
    }) : () -> ()
    %add3A_9 = arith.constant 1 : i32
    %add3A_10 = arith.addi %select_n3A_8, %add3A_9 : i32
    %dma_start3A = arith.constant 1 : i32
    %dma_start3A_11 = arith.constant 0 : i32
    %dma_start3A_12 = arith.constant 0 : i32
    %dma_start3A_13 = tpu.memref_slice %arg5[%dma_start3A, %dma_start3A_11, %dma_start3A_12] : memref<3x2x128xi32, #tpu.memory_space<vmem>> -> memref<1x2x128xi32, #tpu.memory_space<vmem>>
    %dma_start3A_14 = tpu.memref_squeeze %dma_start3A_13 : memref<1x2x128xi32, #tpu.memory_space<vmem>> -> memref<2x128xi32, #tpu.memory_space<vmem>>
    %dma_start3A_15 = arith.constant 0 : i32
    %dma_start3A_16 = arith.constant 0 : i32
    %dma_start3A_17 = tpu.memref_slice %arg3[%add3A_10, %dma_start3A_15, %dma_start3A_16] : memref<2528x2x128xi32, #tpu.memory_space<hbm>> -> memref<1x2x128xi32, #tpu.memory_space<hbm>>
    %dma_start3A_18 = tpu.memref_squeeze %dma_start3A_17 : memref<1x2x128xi32, #tpu.memory_space<hbm>> -> memref<2x128xi32, #tpu.memory_space<hbm>>
    %dma_start3A_19 = arith.constant 0 : i32
    %dma_start3A_20 = arith.constant 0 : i32
    %dma_start3A_21 = tpu.memref_slice %arg5[%dma_start3A, %dma_start3A_19, %dma_start3A_20] : memref<3x2x128xi32, #tpu.memory_space<vmem>> -> memref<1x2x128xi32, #tpu.memory_space<vmem>>
    %dma_start3A_22 = tpu.memref_squeeze %dma_start3A_21 : memref<1x2x128xi32, #tpu.memory_space<vmem>> -> memref<2x128xi32, #tpu.memory_space<vmem>>
    %dma_start3A_23 = arith.constant 0 : i32
    %dma_start3A_24 = arith.constant 0 : i32
    %dma_start3A_25 = tpu.memref_slice %arg3[%add3A_10, %dma_start3A_23, %dma_start3A_24] : memref<2528x2x128xi32, #tpu.memory_space<hbm>> -> memref<1x2x128xi32, #tpu.memory_space<hbm>>
    %dma_start3A_26 = tpu.memref_squeeze %dma_start3A_25 : memref<1x2x128xi32, #tpu.memory_space<hbm>> -> memref<2x128xi32, #tpu.memory_space<hbm>>
    tpu.enqueue_dma source(%dma_start3A_26 : memref<2x128xi32, #tpu.memory_space<hbm>>) target(%dma_start3A_22 : memref<2x128xi32, #tpu.memory_space<vmem>>) target_semaphore(%arg9 : memref<!tpu.dma_semaphore, #tpu.memory_space<semaphore_mem>>)
    %dma_start3A_27 = arith.constant 0 : i32
    %dma_start3A_28 = arith.constant 0 : i32
    %dma_start3A_29 = arith.constant 0 : i32
    %dma_start3A_30 = arith.constant 0 : i32
    %dma_start3A_31 = arith.constant 0 : i32
    %dma_start3A_32 = tpu.memref_slice %arg6[%dma_start3A_29, %dma_start3A_30, %dma_start3A_31] : memref<2x128x128xf32, #tpu.memory_space<vmem>> -> memref<1x128x128xf32, #tpu.memory_space<vmem>>
    %dma_start3A_33 = tpu.memref_squeeze %dma_start3A_32 : memref<1x128x128xf32, #tpu.memory_space<vmem>> -> memref<128x128xf32, #tpu.memory_space<vmem>>
    %dma_start3A_34 = arith.constant 0 : i32
    %dma_start3A_35 = tpu.memref_slice %arg5[%dma_start3A_27, %dma_start3A_28, %dma_start3A_34] : memref<3x2x128xi32, #tpu.memory_space<vmem>> -> memref<1x1x128xi32, #tpu.memory_space<vmem>>
    %dma_start3A_36 = tpu.memref_squeeze %dma_start3A_35 : memref<1x1x128xi32, #tpu.memory_space<vmem>> -> memref<128xi32, #tpu.memory_space<vmem>>
    %dma_start3A_37 = arith.constant 0 : i32
    %dma_start3A_38 = arith.constant 0 : i32
    %dma_start3A_39 = tpu.memref_slice %arg2[%dma_start3A_37, %dma_start3A_38] : memref<10000x128xf32, #tpu.memory_space<hbm>> -> memref<10000x128xf32, #tpu.memory_space<hbm>>
    tpu.enqueue_indirect_dma source(%dma_start3A_39 : memref<10000x128xf32, #tpu.memory_space<hbm>>) target(%dma_start3A_33 : memref<128x128xf32, #tpu.memory_space<vmem>>) offsets(%dma_start3A_36 : memref<128xi32, #tpu.memory_space<vmem>>) semaphore(%arg8 : memref<!tpu.dma_semaphore, #tpu.memory_space<semaphore_mem>>)
    %broadcast_in_dim3A = arith.constant 0.000000e+00 : f32
    %broadcast_in_dim3A_40 = vector.broadcast %broadcast_in_dim3A : f32 to vector<16xf32>
    %scan3A = arith.constant 0 : i32
    %scan3A_41 = arith.constant 0 : i32
    %scan3A_42 = arith.constant 128 : i32
    %scan3A_43 = arith.addi %scan3A_41, %scan3A_42 : i32
    %scan3A_44 = arith.constant 1 : i32
    scf.for %scan3A_85 = %scan3A_41 to %scan3A_43 step %scan3A_44  : i32 {
      %swap3A = arith.constant 1 : i32
      %swap3A_86 = arith.index_cast %swap3A : i32 to index
      %swap3A_87 = arith.index_cast %scan3A_85 : i32 to index
      %swap3A_88 = arith.constant 0 : index
      %swap3A_89 = tpu.vector_load %arg6[%swap3A_86, %swap3A_87, %swap3A_88] {strides = array<i32>} : memref<2x128x128xf32, #tpu.memory_space<vmem>>, vector<1x1x16xf32>,
      %swap3A_90 = vector.shape_cast %swap3A_89 : vector<1x1x16xf32> to vector<16xf32>
      %swap3A_91 = vector.shape_cast %broadcast_in_dim3A_40 : vector<16xf32> to vector<1x1x16xf32>
      tpu.vector_store %arg6[%swap3A_86, %swap3A_87, %swap3A_88], %swap3A_91 {strides = array<i32>} : memref<2x128x128xf32, #tpu.memory_space<vmem>>, vector<1x1x16xf32>,
      %swap3A_92 = arith.constant 1 : i32
      %swap3A_93 = arith.index_cast %swap3A_92 : i32 to index
      %swap3A_94 = arith.index_cast %scan3A_85 : i32 to index
      %swap3A_95 = arith.constant 16 : index
      %swap3A_96 = tpu.vector_load %arg6[%swap3A_93, %swap3A_94, %swap3A_95] {strides = array<i32>} : memref<2x128x128xf32, #tpu.memory_space<vmem>>, vector<1x1x16xf32>,
      %swap3A_97 = vector.shape_cast %swap3A_96 : vector<1x1x16xf32> to vector<16xf32>
      %swap3A_98 = vector.shape_cast %broadcast_in_dim3A_40 : vector<16xf32> to vector<1x1x16xf32>
      tpu.vector_store %arg6[%swap3A_93, %swap3A_94, %swap3A_95], %swap3A_98 {strides = array<i32>} : memref<2x128x128xf32, #tpu.memory_space<vmem>>, vector<1x1x16xf32>,
      %swap3A_99 = arith.constant 1 : i32
      %swap3A_100 = arith.index_cast %swap3A_99 : i32 to index
      %swap3A_101 = arith.index_cast %scan3A_85 : i32 to index
      %swap3A_102 = arith.constant 32 : index
      %swap3A_103 = tpu.vector_load %arg6[%swap3A_100, %swap3A_101, %swap3A_102] {strides = array<i32>} : memref<2x128x128xf32, #tpu.memory_space<vmem>>, vector<1x1x16xf32>,
      %swap3A_104 = vector.shape_cast %swap3A_103 : vector<1x1x16xf32> to vector<16xf32>
      %swap3A_105 = vector.shape_cast %broadcast_in_dim3A_40 : vector<16xf32> to vector<1x1x16xf32>
      tpu.vector_store %arg6[%swap3A_100, %swap3A_101, %swap3A_102], %swap3A_105 {strides = array<i32>} : memref<2x128x128xf32, #tpu.memory_space<vmem>>, vector<1x1x16xf32>,
      %swap3A_106 = arith.constant 1 : i32
      %swap3A_107 = arith.index_cast %swap3A_106 : i32 to index
      %swap3A_108 = arith.index_cast %scan3A_85 : i32 to index
      %swap3A_109 = arith.constant 48 : index
      %swap3A_110 = tpu.vector_load %arg6[%swap3A_107, %swap3A_108, %swap3A_109] {strides = array<i32>} : memref<2x128x128xf32, #tpu.memory_space<vmem>>, vector<1x1x16xf32>,
      %swap3A_111 = vector.shape_cast %swap3A_110 : vector<1x1x16xf32> to vector<16xf32>
      %swap3A_112 = vector.shape_cast %broadcast_in_dim3A_40 : vector<16xf32> to vector<1x1x16xf32>
      tpu.vector_store %arg6[%swap3A_107, %swap3A_108, %swap3A_109], %swap3A_112 {strides = array<i32>} : memref<2x128x128xf32, #tpu.memory_space<vmem>>, vector<1x1x16xf32>,
      %swap3A_113 = arith.constant 1 : i32
      %swap3A_114 = arith.index_cast %swap3A_113 : i32 to index
      %swap3A_115 = arith.index_cast %scan3A_85 : i32 to index
      %swap3A_116 = arith.constant 64 : index
      %swap3A_117 = tpu.vector_load %arg6[%swap3A_114, %swap3A_115, %swap3A_116] {strides = array<i32>} : memref<2x128x128xf32, #tpu.memory_space<vmem>>, vector<1x1x16xf32>,
      %swap3A_118 = vector.shape_cast %swap3A_117 : vector<1x1x16xf32> to vector<16xf32>
      %swap3A_119 = vector.shape_cast %broadcast_in_dim3A_40 : vector<16xf32> to vector<1x1x16xf32>
      tpu.vector_store %arg6[%swap3A_114, %swap3A_115, %swap3A_116], %swap3A_119 {strides = array<i32>} : memref<2x128x128xf32, #tpu.memory_space<vmem>>, vector<1x1x16xf32>,
      %swap3A_120 = arith.constant 1 : i32
      %swap3A_121 = arith.index_cast %swap3A_120 : i32 to index
      %swap3A_122 = arith.index_cast %scan3A_85 : i32 to index
      %swap3A_123 = arith.constant 80 : index
      %swap3A_124 = tpu.vector_load %arg6[%swap3A_121, %swap3A_122, %swap3A_123] {strides = array<i32>} : memref<2x128x128xf32, #tpu.memory_space<vmem>>, vector<1x1x16xf32>,
      %swap3A_125 = vector.shape_cast %swap3A_124 : vector<1x1x16xf32> to vector<16xf32>
      %swap3A_126 = vector.shape_cast %broadcast_in_dim3A_40 : vector<16xf32> to vector<1x1x16xf32>
      tpu.vector_store %arg6[%swap3A_121, %swap3A_122, %swap3A_123], %swap3A_126 {strides = array<i32>} : memref<2x128x128xf32, #tpu.memory_space<vmem>>, vector<1x1x16xf32>,
      %swap3A_127 = arith.constant 1 : i32
      %swap3A_128 = arith.index_cast %swap3A_127 : i32 to index
      %swap3A_129 = arith.index_cast %scan3A_85 : i32 to index
      %swap3A_130 = arith.constant 96 : index
      %swap3A_131 = tpu.vector_load %arg6[%swap3A_128, %swap3A_129, %swap3A_130] {strides = array<i32>} : memref<2x128x128xf32, #tpu.memory_space<vmem>>, vector<1x1x16xf32>,
      %swap3A_132 = vector.shape_cast %swap3A_131 : vector<1x1x16xf32> to vector<16xf32>
      %swap3A_133 = vector.shape_cast %broadcast_in_dim3A_40 : vector<16xf32> to vector<1x1x16xf32>
      tpu.vector_store %arg6[%swap3A_128, %swap3A_129, %swap3A_130], %swap3A_133 {strides = array<i32>} : memref<2x128x128xf32, #tpu.memory_space<vmem>>, vector<1x1x16xf32>,
      %swap3A_134 = arith.constant 1 : i32
      %swap3A_135 = arith.index_cast %swap3A_134 : i32 to index
      %swap3A_136 = arith.index_cast %scan3A_85 : i32 to index
      %swap3A_137 = arith.constant 112 : index
      %swap3A_138 = tpu.vector_load %arg6[%swap3A_135, %swap3A_136, %swap3A_137] {strides = array<i32>} : memref<2x128x128xf32, #tpu.memory_space<vmem>>, vector<1x1x16xf32>,
      %swap3A_139 = vector.shape_cast %swap3A_138 : vector<1x1x16xf32> to vector<16xf32>
      %swap3A_140 = vector.shape_cast %broadcast_in_dim3A_40 : vector<16xf32> to vector<1x1x16xf32>
      tpu.vector_store %arg6[%swap3A_135, %swap3A_136, %swap3A_137], %swap3A_140 {strides = array<i32>} : memref<2x128x128xf32, #tpu.memory_space<vmem>>, vector<1x1x16xf32>,
    }
    %scan3A_45 = arith.constant 128 : i32
    %mul3A_46 = arith.constant 632 : i32
    %mul3A_47 = arith.muli %arg1, %mul3A_46 : i32
    %add3A_48 = arith.constant 0 : i32
    %add3A_49 = arith.addi %mul3A_47, %add3A_48 : i32
    %run_scoped3A_50 = arith.constant 1 : i32
    "tpu.region"() ({
      %run_scoped3A_85 = tpu.sem_alloc : memref<!tpu.dma_semaphore, #tpu.memory_space<semaphore_mem>>
      %dma_start3A_86 = arith.constant 0 : i32
      %dma_start3A_87 = arith.constant 0 : i32
      %dma_start3A_88 = tpu.memref_slice %arg6[%run_scoped3A_50, %dma_start3A_86, %dma_start3A_87] : memref<2x128x128xf32, #tpu.memory_space<vmem>> -> memref<1x128x128xf32, #tpu.memory_space<vmem>>
      %dma_start3A_89 = tpu.memref_squeeze %dma_start3A_88 : memref<1x128x128xf32, #tpu.memory_space<vmem>> -> memref<128x128xf32, #tpu.memory_space<vmem>>
      %dma_start3A_90 = arith.constant 0 : i32
      %dma_start3A_91 = tpu.memref_slice %arg7[%add3A_49, %dma_start3A_90] : memref<10112x128xf32, #tpu.memory_space<vmem_shared>> -> memref<128x128xf32, #tpu.memory_space<vmem_shared>>
      %dma_start3A_92 = arith.constant 0 : i32
      %dma_start3A_93 = tpu.memref_slice %arg7[%add3A_49, %dma_start3A_92] : memref<10112x128xf32, #tpu.memory_space<vmem_shared>> -> memref<128x128xf32, #tpu.memory_space<vmem_shared>>
      %dma_start3A_94 = arith.constant 0 : i32
      %dma_start3A_95 = arith.constant 0 : i32
      %dma_start3A_96 = tpu.memref_slice %arg6[%run_scoped3A_50, %dma_start3A_94, %dma_start3A_95] : memref<2x128x128xf32, #tpu.memory_space<vmem>> -> memref<1x128x128xf32, #tpu.memory_space<vmem>>
      %dma_start3A_97 = tpu.memref_squeeze %dma_start3A_96 : memref<1x128x128xf32, #tpu.memory_space<vmem>> -> memref<128x128xf32, #tpu.memory_space<vmem>>
      tpu.enqueue_dma source(%dma_start3A_97 : memref<128x128xf32, #tpu.memory_space<vmem>>) target(%dma_start3A_93 : memref<128x128xf32, #tpu.memory_space<vmem_shared>>) target_semaphore(%run_scoped3A_85 : memref<!tpu.dma_semaphore, #tpu.memory_space<semaphore_mem>>)
      %dma_wait3A = arith.constant 0 : i32
      %dma_wait3A_98 = arith.constant 0 : i32
      %dma_wait3A_99 = tpu.memref_slice %arg6[%run_scoped3A_50, %dma_wait3A, %dma_wait3A_98] : memref<2x128x128xf32, #tpu.memory_space<vmem>> -> memref<1x128x128xf32, #tpu.memory_space<vmem>>
      %dma_wait3A_100 = tpu.memref_squeeze %dma_wait3A_99 : memref<1x128x128xf32, #tpu.memory_space<vmem>> -> memref<128x128xf32, #tpu.memory_space<vmem>>
      %dma_wait3A_101 = arith.constant 0 : i32
      %dma_wait3A_102 = tpu.memref_slice %arg7[%add3A_49, %dma_wait3A_101] : memref<10112x128xf32, #tpu.memory_space<vmem_shared>> -> memref<128x128xf32, #tpu.memory_space<vmem_shared>>
      %dma_wait3A_103 = arith.constant 0 : i32
      %dma_wait3A_104 = tpu.memref_slice %arg7[%add3A_49, %dma_wait3A_103] : memref<10112x128xf32, #tpu.memory_space<vmem_shared>> -> memref<128x128xf32, #tpu.memory_space<vmem_shared>>
      %dma_wait3A_105 = arith.constant 0 : i32
      %dma_wait3A_106 = arith.constant 0 : i32
      %dma_wait3A_107 = tpu.memref_slice %arg6[%run_scoped3A_50, %dma_wait3A_105, %dma_wait3A_106] : memref<2x128x128xf32, #tpu.memory_space<vmem>> -> memref<1x128x128xf32, #tpu.memory_space<vmem>>
      %dma_wait3A_108 = tpu.memref_squeeze %dma_wait3A_107 : memref<1x128x128xf32, #tpu.memory_space<vmem>> -> memref<128x128xf32, #tpu.memory_space<vmem>>
      tpu.wait_dma2 semaphore(%run_scoped3A_85 : memref<!tpu.dma_semaphore, #tpu.memory_space<semaphore_mem>>) src(%dma_wait3A_108 : memref<128x128xf32, #tpu.memory_space<vmem>>) dst(%dma_wait3A_104 : memref<128x128xf32, #tpu.memory_space<vmem_shared>>)
      tpu.yield
    }) : () -> ()
    %mul3A_51 = arith.constant 632 : i32
    %mul3A_52 = arith.muli %arg1, %mul3A_51 : i32
    %add3A_53 = arith.constant 128 : i32
    %add3A_54 = arith.addi %mul3A_52, %add3A_53 : i32
    %run_scoped3A_55 = arith.constant 1 : i32
    "tpu.region"() ({
      %run_scoped3A_85 = tpu.sem_alloc : memref<!tpu.dma_semaphore, #tpu.memory_space<semaphore_mem>>
      %dma_start3A_86 = arith.constant 0 : i32
      %dma_start3A_87 = arith.constant 0 : i32
      %dma_start3A_88 = tpu.memref_slice %arg6[%run_scoped3A_55, %dma_start3A_86, %dma_start3A_87] : memref<2x128x128xf32, #tpu.memory_space<vmem>> -> memref<1x128x128xf32, #tpu.memory_space<vmem>>
      %dma_start3A_89 = tpu.memref_squeeze %dma_start3A_88 : memref<1x128x128xf32, #tpu.memory_space<vmem>> -> memref<128x128xf32, #tpu.memory_space<vmem>>
      %dma_start3A_90 = arith.constant 0 : i32
      %dma_start3A_91 = tpu.memref_slice %arg7[%add3A_54, %dma_start3A_90] : memref<10112x128xf32, #tpu.memory_space<vmem_shared>> -> memref<128x128xf32, #tpu.memory_space<vmem_shared>>
      %dma_start3A_92 = arith.constant 0 : i32
      %dma_start3A_93 = tpu.memref_slice %arg7[%add3A_54, %dma_start3A_92] : memref<10112x128xf32, #tpu.memory_space<vmem_shared>> -> memref<128x128xf32, #tpu.memory_space<vmem_shared>>
      %dma_start3A_94 = arith.constant 0 : i32
      %dma_start3A_95 = arith.constant 0 : i32
      %dma_start3A_96 = tpu.memref_slice %arg6[%run_scoped3A_55, %dma_start3A_94, %dma_start3A_95] : memref<2x128x128xf32, #tpu.memory_space<vmem>> -> memref<1x128x128xf32, #tpu.memory_space<vmem>>
      %dma_start3A_97 = tpu.memref_squeeze %dma_start3A_96 : memref<1x128x128xf32, #tpu.memory_space<vmem>> -> memref<128x128xf32, #tpu.memory_space<vmem>>
      tpu.enqueue_dma source(%dma_start3A_97 : memref<128x128xf32, #tpu.memory_space<vmem>>) target(%dma_start3A_93 : memref<128x128xf32, #tpu.memory_space<vmem_shared>>) target_semaphore(%run_scoped3A_85 : memref<!tpu.dma_semaphore, #tpu.memory_space<semaphore_mem>>)
      %dma_wait3A = arith.constant 0 : i32
      %dma_wait3A_98 = arith.constant 0 : i32
      %dma_wait3A_99 = tpu.memref_slice %arg6[%run_scoped3A_55, %dma_wait3A, %dma_wait3A_98] : memref<2x128x128xf32, #tpu.memory_space<vmem>> -> memref<1x128x128xf32, #tpu.memory_space<vmem>>
      %dma_wait3A_100 = tpu.memref_squeeze %dma_wait3A_99 : memref<1x128x128xf32, #tpu.memory_space<vmem>> -> memref<128x128xf32, #tpu.memory_space<vmem>>
      %dma_wait3A_101 = arith.constant 0 : i32
      %dma_wait3A_102 = tpu.memref_slice %arg7[%add3A_54, %dma_wait3A_101] : memref<10112x128xf32, #tpu.memory_space<vmem_shared>> -> memref<128x128xf32, #tpu.memory_space<vmem_shared>>
      %dma_wait3A_103 = arith.constant 0 : i32
      %dma_wait3A_104 = tpu.memref_slice %arg7[%add3A_54, %dma_wait3A_103] : memref<10112x128xf32, #tpu.memory_space<vmem_shared>> -> memref<128x128xf32, #tpu.memory_space<vmem_shared>>
      %dma_wait3A_105 = arith.constant 0 : i32
      %dma_wait3A_106 = arith.constant 0 : i32
      %dma_wait3A_107 = tpu.memref_slice %arg6[%run_scoped3A_55, %dma_wait3A_105, %dma_wait3A_106] : memref<2x128x128xf32, #tpu.memory_space<vmem>> -> memref<1x128x128xf32, #tpu.memory_space<vmem>>
      %dma_wait3A_108 = tpu.memref_squeeze %dma_wait3A_107 : memref<1x128x128xf32, #tpu.memory_space<vmem>> -> memref<128x128xf32, #tpu.memory_space<vmem>>
      tpu.wait_dma2 semaphore(%run_scoped3A_85 : memref<!tpu.dma_semaphore, #tpu.memory_space<semaphore_mem>>) src(%dma_wait3A_108 : memref<128x128xf32, #tpu.memory_space<vmem>>) dst(%dma_wait3A_104 : memref<128x128xf32, #tpu.memory_space<vmem_shared>>)
      tpu.yield
    }) : () -> ()
    %mul3A_56 = arith.constant 632 : i32
    %mul3A_57 = arith.muli %arg1, %mul3A_56 : i32
    %add3A_58 = arith.constant 256 : i32
    %add3A_59 = arith.addi %mul3A_57, %add3A_58 : i32
    %run_scoped3A_60 = arith.constant 1 : i32
    "tpu.region"() ({
      %run_scoped3A_85 = tpu.sem_alloc : memref<!tpu.dma_semaphore, #tpu.memory_space<semaphore_mem>>
      %dma_start3A_86 = arith.constant 0 : i32
      %dma_start3A_87 = arith.constant 0 : i32
      %dma_start3A_88 = tpu.memref_slice %arg6[%run_scoped3A_60, %dma_start3A_86, %dma_start3A_87] : memref<2x128x128xf32, #tpu.memory_space<vmem>> -> memref<1x128x128xf32, #tpu.memory_space<vmem>>
      %dma_start3A_89 = tpu.memref_squeeze %dma_start3A_88 : memref<1x128x128xf32, #tpu.memory_space<vmem>> -> memref<128x128xf32, #tpu.memory_space<vmem>>
      %dma_start3A_90 = arith.constant 0 : i32
      %dma_start3A_91 = tpu.memref_slice %arg7[%add3A_59, %dma_start3A_90] : memref<10112x128xf32, #tpu.memory_space<vmem_shared>> -> memref<128x128xf32, #tpu.memory_space<vmem_shared>>
      %dma_start3A_92 = arith.constant 0 : i32
      %dma_start3A_93 = tpu.memref_slice %arg7[%add3A_59, %dma_start3A_92] : memref<10112x128xf32, #tpu.memory_space<vmem_shared>> -> memref<128x128xf32, #tpu.memory_space<vmem_shared>>
      %dma_start3A_94 = arith.constant 0 : i32
      %dma_start3A_95 = arith.constant 0 : i32
      %dma_start3A_96 = tpu.memref_slice %arg6[%run_scoped3A_60, %dma_start3A_94, %dma_start3A_95] : memref<2x128x128xf32, #tpu.memory_space<vmem>> -> memref<1x128x128xf32, #tpu.memory_space<vmem>>
      %dma_start3A_97 = tpu.memref_squeeze %dma_start3A_96 : memref<1x128x128xf32, #tpu.memory_space<vmem>> -> memref<128x128xf32, #tpu.memory_space<vmem>>
      tpu.enqueue_dma source(%dma_start3A_97 : memref<128x128xf32, #tpu.memory_space<vmem>>) target(%dma_start3A_93 : memref<128x128xf32, #tpu.memory_space<vmem_shared>>) target_semaphore(%run_scoped3A_85 : memref<!tpu.dma_semaphore, #tpu.memory_space<semaphore_mem>>)
      %dma_wait3A = arith.constant 0 : i32
      %dma_wait3A_98 = arith.constant 0 : i32
      %dma_wait3A_99 = tpu.memref_slice %arg6[%run_scoped3A_60, %dma_wait3A, %dma_wait3A_98] : memref<2x128x128xf32, #tpu.memory_space<vmem>> -> memref<1x128x128xf32, #tpu.memory_space<vmem>>
      %dma_wait3A_100 = tpu.memref_squeeze %dma_wait3A_99 : memref<1x128x128xf32, #tpu.memory_space<vmem>> -> memref<128x128xf32, #tpu.memory_space<vmem>>
      %dma_wait3A_101 = arith.constant 0 : i32
      %dma_wait3A_102 = tpu.memref_slice %arg7[%add3A_59, %dma_wait3A_101] : memref<10112x128xf32, #tpu.memory_space<vmem_shared>> -> memref<128x128xf32, #tpu.memory_space<vmem_shared>>
      %dma_wait3A_103 = arith.constant 0 : i32
      %dma_wait3A_104 = tpu.memref_slice %arg7[%add3A_59, %dma_wait3A_103] : memref<10112x128xf32, #tpu.memory_space<vmem_shared>> -> memref<128x128xf32, #tpu.memory_space<vmem_shared>>
      %dma_wait3A_105 = arith.constant 0 : i32
      %dma_wait3A_106 = arith.constant 0 : i32
      %dma_wait3A_107 = tpu.memref_slice %arg6[%run_scoped3A_60, %dma_wait3A_105, %dma_wait3A_106] : memref<2x128x128xf32, #tpu.memory_space<vmem>> -> memref<1x128x128xf32, #tpu.memory_space<vmem>>
      %dma_wait3A_108 = tpu.memref_squeeze %dma_wait3A_107 : memref<1x128x128xf32, #tpu.memory_space<vmem>> -> memref<128x128xf32, #tpu.memory_space<vmem>>
      tpu.wait_dma2 semaphore(%run_scoped3A_85 : memref<!tpu.dma_semaphore, #tpu.memory_space<semaphore_mem>>) src(%dma_wait3A_108 : memref<128x128xf32, #tpu.memory_space<vmem>>) dst(%dma_wait3A_104 : memref<128x128xf32, #tpu.memory_space<vmem_shared>>)
      tpu.yield
    }) : () -> ()
    %mul3A_61 = arith.constant 632 : i32
    %mul3A_62 = arith.muli %arg1, %mul3A_61 : i32
    %add3A_63 = arith.constant 384 : i32
    %add3A_64 = arith.addi %mul3A_62, %add3A_63 : i32
    %run_scoped3A_65 = arith.constant 1 : i32
    "tpu.region"() ({
      %run_scoped3A_85 = tpu.sem_alloc : memref<!tpu.dma_semaphore, #tpu.memory_space<semaphore_mem>>
      %dma_start3A_86 = arith.constant 0 : i32
      %dma_start3A_87 = arith.constant 0 : i32
      %dma_start3A_88 = tpu.memref_slice %arg6[%run_scoped3A_65, %dma_start3A_86, %dma_start3A_87] : memref<2x128x128xf32, #tpu.memory_space<vmem>> -> memref<1x128x128xf32, #tpu.memory_space<vmem>>
      %dma_start3A_89 = tpu.memref_squeeze %dma_start3A_88 : memref<1x128x128xf32, #tpu.memory_space<vmem>> -> memref<128x128xf32, #tpu.memory_space<vmem>>
      %dma_start3A_90 = arith.constant 0 : i32
      %dma_start3A_91 = tpu.memref_slice %arg7[%add3A_64, %dma_start3A_90] : memref<10112x128xf32, #tpu.memory_space<vmem_shared>> -> memref<128x128xf32, #tpu.memory_space<vmem_shared>>
      %dma_start3A_92 = arith.constant 0 : i32
      %dma_start3A_93 = tpu.memref_slice %arg7[%add3A_64, %dma_start3A_92] : memref<10112x128xf32, #tpu.memory_space<vmem_shared>> -> memref<128x128xf32, #tpu.memory_space<vmem_shared>>
      %dma_start3A_94 = arith.constant 0 : i32
      %dma_start3A_95 = arith.constant 0 : i32
      %dma_start3A_96 = tpu.memref_slice %arg6[%run_scoped3A_65, %dma_start3A_94, %dma_start3A_95] : memref<2x128x128xf32, #tpu.memory_space<vmem>> -> memref<1x128x128xf32, #tpu.memory_space<vmem>>
      %dma_start3A_97 = tpu.memref_squeeze %dma_start3A_96 : memref<1x128x128xf32, #tpu.memory_space<vmem>> -> memref<128x128xf32, #tpu.memory_space<vmem>>
      tpu.enqueue_dma source(%dma_start3A_97 : memref<128x128xf32, #tpu.memory_space<vmem>>) target(%dma_start3A_93 : memref<128x128xf32, #tpu.memory_space<vmem_shared>>) target_semaphore(%run_scoped3A_85 : memref<!tpu.dma_semaphore, #tpu.memory_space<semaphore_mem>>)
      %dma_wait3A = arith.constant 0 : i32
      %dma_wait3A_98 = arith.constant 0 : i32
      %dma_wait3A_99 = tpu.memref_slice %arg6[%run_scoped3A_65, %dma_wait3A, %dma_wait3A_98] : memref<2x128x128xf32, #tpu.memory_space<vmem>> -> memref<1x128x128xf32, #tpu.memory_space<vmem>>
      %dma_wait3A_100 = tpu.memref_squeeze %dma_wait3A_99 : memref<1x128x128xf32, #tpu.memory_space<vmem>> -> memref<128x128xf32, #tpu.memory_space<vmem>>
      %dma_wait3A_101 = arith.constant 0 : i32
      %dma_wait3A_102 = tpu.memref_slice %arg7[%add3A_64, %dma_wait3A_101] : memref<10112x128xf32, #tpu.memory_space<vmem_shared>> -> memref<128x128xf32, #tpu.memory_space<vmem_shared>>
      %dma_wait3A_103 = arith.constant 0 : i32
      %dma_wait3A_104 = tpu.memref_slice %arg7[%add3A_64, %dma_wait3A_103] : memref<10112x128xf32, #tpu.memory_space<vmem_shared>> -> memref<128x128xf32, #tpu.memory_space<vmem_shared>>
      %dma_wait3A_105 = arith.constant 0 : i32
      %dma_wait3A_106 = arith.constant 0 : i32
      %dma_wait3A_107 = tpu.memref_slice %arg6[%run_scoped3A_65, %dma_wait3A_105, %dma_wait3A_106] : memref<2x128x128xf32, #tpu.memory_space<vmem>> -> memref<1x128x128xf32, #tpu.memory_space<vmem>>
      %dma_wait3A_108 = tpu.memref_squeeze %dma_wait3A_107 : memref<1x128x128xf32, #tpu.memory_space<vmem>> -> memref<128x128xf32, #tpu.memory_space<vmem>>
      tpu.wait_dma2 semaphore(%run_scoped3A_85 : memref<!tpu.dma_semaphore, #tpu.memory_space<semaphore_mem>>) src(%dma_wait3A_108 : memref<128x128xf32, #tpu.memory_space<vmem>>) dst(%dma_wait3A_104 : memref<128x128xf32, #tpu.memory_space<vmem_shared>>)
      tpu.yield
    }) : () -> ()
    %mul3A_66 = arith.constant 632 : i32
    %mul3A_67 = arith.muli %arg1, %mul3A_66 : i32
    %add3A_68 = arith.constant 512 : i32
    %add3A_69 = arith.addi %mul3A_67, %add3A_68 : i32
    %run_scoped3A_70 = arith.constant 1 : i32
    "tpu.region"() ({
      %run_scoped3A_85 = tpu.sem_alloc : memref<!tpu.dma_semaphore, #tpu.memory_space<semaphore_mem>>
      %dma_start3A_86 = arith.constant 0 : i32
      %dma_start3A_87 = arith.constant 0 : i32
      %dma_start3A_88 = tpu.memref_slice %arg6[%run_scoped3A_70, %dma_start3A_86, %dma_start3A_87] : memref<2x128x128xf32, #tpu.memory_space<vmem>> -> memref<1x120x128xf32, #tpu.memory_space<vmem>>
      %dma_start3A_89 = tpu.memref_squeeze %dma_start3A_88 : memref<1x120x128xf32, #tpu.memory_space<vmem>> -> memref<120x128xf32, #tpu.memory_space<vmem>>
      %dma_start3A_90 = arith.constant 0 : i32
      %dma_start3A_91 = tpu.memref_slice %arg7[%add3A_69, %dma_start3A_90] : memref<10112x128xf32, #tpu.memory_space<vmem_shared>> -> memref<120x128xf32, #tpu.memory_space<vmem_shared>>
      %dma_start3A_92 = arith.constant 0 : i32
      %dma_start3A_93 = tpu.memref_slice %arg7[%add3A_69, %dma_start3A_92] : memref<10112x128xf32, #tpu.memory_space<vmem_shared>> -> memref<120x128xf32, #tpu.memory_space<vmem_shared>>
      %dma_start3A_94 = arith.constant 0 : i32
      %dma_start3A_95 = arith.constant 0 : i32
      %dma_start3A_96 = tpu.memref_slice %arg6[%run_scoped3A_70, %dma_start3A_94, %dma_start3A_95] : memref<2x128x128xf32, #tpu.memory_space<vmem>> -> memref<1x120x128xf32, #tpu.memory_space<vmem>>
      %dma_start3A_97 = tpu.memref_squeeze %dma_start3A_96 : memref<1x120x128xf32, #tpu.memory_space<vmem>> -> memref<120x128xf32, #tpu.memory_space<vmem>>
      tpu.enqueue_dma source(%dma_start3A_97 : memref<120x128xf32, #tpu.memory_space<vmem>>) target(%dma_start3A_93 : memref<120x128xf32, #tpu.memory_space<vmem_shared>>) target_semaphore(%run_scoped3A_85 : memref<!tpu.dma_semaphore, #tpu.memory_space<semaphore_mem>>)
      %dma_wait3A = arith.constant 0 : i32
      %dma_wait3A_98 = arith.constant 0 : i32
      %dma_wait3A_99 = tpu.memref_slice %arg6[%run_scoped3A_70, %dma_wait3A, %dma_wait3A_98] : memref<2x128x128xf32, #tpu.memory_space<vmem>> -> memref<1x120x128xf32, #tpu.memory_space<vmem>>
      %dma_wait3A_100 = tpu.memref_squeeze %dma_wait3A_99 : memref<1x120x128xf32, #tpu.memory_space<vmem>> -> memref<120x128xf32, #tpu.memory_space<vmem>>
      %dma_wait3A_101 = arith.constant 0 : i32
      %dma_wait3A_102 = tpu.memref_slice %arg7[%add3A_69, %dma_wait3A_101] : memref<10112x128xf32, #tpu.memory_space<vmem_shared>> -> memref<120x128xf32, #tpu.memory_space<vmem_shared>>
      %dma_wait3A_103 = arith.constant 0 : i32
      %dma_wait3A_104 = tpu.memref_slice %arg7[%add3A_69, %dma_wait3A_103] : memref<10112x128xf32, #tpu.memory_space<vmem_shared>> -> memref<120x128xf32, #tpu.memory_space<vmem_shared>>
      %dma_wait3A_105 = arith.constant 0 : i32
      %dma_wait3A_106 = arith.constant 0 : i32
      %dma_wait3A_107 = tpu.memref_slice %arg6[%run_scoped3A_70, %dma_wait3A_105, %dma_wait3A_106] : memref<2x128x128xf32, #tpu.memory_space<vmem>> -> memref<1x120x128xf32, #tpu.memory_space<vmem>>
      %dma_wait3A_108 = tpu.memref_squeeze %dma_wait3A_107 : memref<1x120x128xf32, #tpu.memory_space<vmem>> -> memref<120x128xf32, #tpu.memory_space<vmem>>
      tpu.wait_dma2 semaphore(%run_scoped3A_85 : memref<!tpu.dma_semaphore, #tpu.memory_space<semaphore_mem>>) src(%dma_wait3A_108 : memref<120x128xf32, #tpu.memory_space<vmem>>) dst(%dma_wait3A_104 : memref<120x128xf32, #tpu.memory_space<vmem_shared>>)
      tpu.yield
    }) : () -> ()
    %barrier3A = arith.constant 0 : index
    tpu.barrier barrier_id(%barrier3A)
    %while3A = arith.constant 0 : i32
    %while3A_71 = arith.constant 0 : i32
    %while3A_72 = arith.subi %select_n3A, %while3A_71 : i32
    %while3A_73 = arith.addi %while3A_71, %while3A_72 : i32
    %while3A_74 = arith.constant 1 : i32
    %while3A_75 = arith.divsi %while3A_72, %while3A_74 : i32
    %while3A_76 = arith.muli %while3A_75, %while3A_74 : i32
    %while3A_77 = arith.addi %while3A_71, %while3A_76 : i32
    %while3A_78 = arith.constant 1 : i32
    scf.for %while3A_85 = %while3A_71 to %while3A_77 step %while3A_78  : i32 {
      %rem3A = arith.constant 2 : i32
      %rem3A_86 = arith.remsi %while3A_85, %rem3A : i32
      %rem3A_87 = arith.constant 3 : i32
      %rem3A_88 = arith.remsi %while3A_85, %rem3A_87 : i32
      %add3A_89 = arith.constant 1 : i32
      %add3A_90 = arith.addi %while3A_85, %add3A_89 : i32
      %rem3A_91 = arith.constant 3 : i32
      %rem3A_92 = arith.remsi %add3A_90, %rem3A_91 : i32
      %add3A_93 = arith.constant 2 : i32
      %add3A_94 = arith.addi %while3A_85, %add3A_93 : i32
      %rem3A_95 = arith.constant 3 : i32
      %rem3A_96 = arith.remsi %add3A_94, %rem3A_95 : i32
      %dma_wait3A = arith.constant 0 : i32
      %dma_wait3A_97 = arith.constant 0 : i32
      %dma_wait3A_98 = arith.constant 0 : i32
      %dma_wait3A_99 = tpu.memref_slice %arg6[%rem3A_86, %dma_wait3A_97, %dma_wait3A_98] : memref<2x128x128xf32, #tpu.memory_space<vmem>> -> memref<1x128x128xf32, #tpu.memory_space<vmem>>
      %dma_wait3A_100 = tpu.memref_squeeze %dma_wait3A_99 : memref<1x128x128xf32, #tpu.memory_space<vmem>> -> memref<128x128xf32, #tpu.memory_space<vmem>>
      %dma_wait3A_101 = arith.constant 0 : i32
      %dma_wait3A_102 = tpu.memref_slice %arg5[%rem3A_88, %dma_wait3A, %dma_wait3A_101] : memref<3x2x128xi32, #tpu.memory_space<vmem>> -> memref<1x1x128xi32, #tpu.memory_space<vmem>>
      %dma_wait3A_103 = tpu.memref_squeeze %dma_wait3A_102 : memref<1x1x128xi32, #tpu.memory_space<vmem>> -> memref<128xi32, #tpu.memory_space<vmem>>
      %dma_wait3A_104 = arith.constant 0 : i32
      %dma_wait3A_105 = arith.constant 0 : i32
      %dma_wait3A_106 = tpu.memref_slice %arg2[%dma_wait3A_104, %dma_wait3A_105] : memref<10000x128xf32, #tpu.memory_space<hbm>> -> memref<10000x128xf32, #tpu.memory_space<hbm>>
      tpu.wait_indirect_dma semaphore(%arg8 : memref<!tpu.dma_semaphore, #tpu.memory_space<semaphore_mem>>) src(%dma_wait3A_106 : memref<10000x128xf32, #tpu.memory_space<hbm>>) dst(%dma_wait3A_100 : memref<128x128xf32, #tpu.memory_space<vmem>>)
      %add3A_107 = arith.constant 1 : i32
      %add3A_108 = arith.addi %while3A_85, %add3A_107 : i32
      %lt3A = arith.cmpi slt, %add3A_108, %select_n3A : i32
      %convert_element_type3A = arith.extui %lt3A : i1 to i32
      %cond3A = arith.constant 0 : i32
      %cond3A_109 = arith.cmpi ne, %convert_element_type3A, %cond3A : i32
      scf.if %cond3A_109 {
        %add3A_117 = arith.addi %select_n3A_8, %while3A_85 : i32
        %add3A_118 = arith.constant 1 : i32
        %add3A_119 = arith.addi %add3A_117, %add3A_118 : i32
        %dma_wait3A_120 = arith.constant 0 : i32
        %dma_wait3A_121 = arith.constant 0 : i32
        %dma_wait3A_122 = tpu.memref_slice %arg5[%rem3A_92, %dma_wait3A_120, %dma_wait3A_121] : memref<3x2x128xi32, #tpu.memory_space<vmem>> -> memref<1x2x128xi32, #tpu.memory_space<vmem>>
        %dma_wait3A_123 = tpu.memref_squeeze %dma_wait3A_122 : memref<1x2x128xi32, #tpu.memory_space<vmem>> -> memref<2x128xi32, #tpu.memory_space<vmem>>
        %dma_wait3A_124 = arith.constant 0 : i32
        %dma_wait3A_125 = arith.constant 0 : i32
        %dma_wait3A_126 = tpu.memref_slice %arg3[%add3A_119, %dma_wait3A_124, %dma_wait3A_125] : memref<2528x2x128xi32, #tpu.memory_space<hbm>> -> memref<1x2x128xi32, #tpu.memory_space<hbm>>
        %dma_wait3A_127 = tpu.memref_squeeze %dma_wait3A_126 : memref<1x2x128xi32, #tpu.memory_space<hbm>> -> memref<2x128xi32, #tpu.memory_space<hbm>>
        %dma_wait3A_128 = arith.constant 0 : i32
        %dma_wait3A_129 = arith.constant 0 : i32
        %dma_wait3A_130 = tpu.memref_slice %arg5[%rem3A_92, %dma_wait3A_128, %dma_wait3A_129] : memref<3x2x128xi32, #tpu.memory_space<vmem>> -> memref<1x2x128xi32, #tpu.memory_space<vmem>>
        %dma_wait3A_131 = tpu.memref_squeeze %dma_wait3A_130 : memref<1x2x128xi32, #tpu.memory_space<vmem>> -> memref<2x128xi32, #tpu.memory_space<vmem>>
        %dma_wait3A_132 = arith.constant 0 : i32
        %dma_wait3A_133 = arith.constant 0 : i32
        %dma_wait3A_134 = tpu.memref_slice %arg3[%add3A_119, %dma_wait3A_132, %dma_wait3A_133] : memref<2528x2x128xi32, #tpu.memory_space<hbm>> -> memref<1x2x128xi32, #tpu.memory_space<hbm>>
        %dma_wait3A_135 = tpu.memref_squeeze %dma_wait3A_134 : memref<1x2x128xi32, #tpu.memory_space<hbm>> -> memref<2x128xi32, #tpu.memory_space<hbm>>
        tpu.wait_dma2 semaphore(%arg9 : memref<!tpu.dma_semaphore, #tpu.memory_space<semaphore_mem>>) src(%dma_wait3A_135 : memref<2x128xi32, #tpu.memory_space<hbm>>) dst(%dma_wait3A_131 : memref<2x128xi32, #tpu.memory_space<vmem>>)
        %sub3A = arith.constant 1 : i32
        %sub3A_136 = arith.subi %sub3A, %rem3A_86 : i32
        %dma_start3A_137 = arith.constant 0 : i32
        %dma_start3A_138 = arith.constant 0 : i32
        %dma_start3A_139 = arith.constant 0 : i32
        %dma_start3A_140 = tpu.memref_slice %arg6[%sub3A_136, %dma_start3A_138, %dma_start3A_139] : memref<2x128x128xf32, #tpu.memory_space<vmem>> -> memref<1x128x128xf32, #tpu.memory_space<vmem>>
        %dma_start3A_141 = tpu.memref_squeeze %dma_start3A_140 : memref<1x128x128xf32, #tpu.memory_space<vmem>> -> memref<128x128xf32, #tpu.memory_space<vmem>>
        %dma_start3A_142 = arith.constant 0 : i32
        %dma_start3A_143 = tpu.memref_slice %arg5[%rem3A_92, %dma_start3A_137, %dma_start3A_142] : memref<3x2x128xi32, #tpu.memory_space<vmem>> -> memref<1x1x128xi32, #tpu.memory_space<vmem>>
        %dma_start3A_144 = tpu.memref_squeeze %dma_start3A_143 : memref<1x1x128xi32, #tpu.memory_space<vmem>> -> memref<128xi32, #tpu.memory_space<vmem>>
        %dma_start3A_145 = arith.constant 0 : i32
        %dma_start3A_146 = arith.constant 0 : i32
        %dma_start3A_147 = tpu.memref_slice %arg2[%dma_start3A_145, %dma_start3A_146] : memref<10000x128xf32, #tpu.memory_space<hbm>> -> memref<10000x128xf32, #tpu.memory_space<hbm>>
        tpu.enqueue_indirect_dma source(%dma_start3A_147 : memref<10000x128xf32, #tpu.memory_space<hbm>>) target(%dma_start3A_141 : memref<128x128xf32, #tpu.memory_space<vmem>>) offsets(%dma_start3A_144 : memref<128xi32, #tpu.memory_space<vmem>>) semaphore(%arg8 : memref<!tpu.dma_semaphore, #tpu.memory_space<semaphore_mem>>)
      } else {
      }
      %add3A_110 = arith.constant 2 : i32
      %add3A_111 = arith.addi %while3A_85, %add3A_110 : i32
      %lt3A_112 = arith.cmpi slt, %add3A_111, %select_n3A : i32
      %convert_element_type3A_113 = arith.extui %lt3A_112 : i1 to i32
      %cond3A_114 = arith.constant 0 : i32
      %cond3A_115 = arith.cmpi ne, %convert_element_type3A_113, %cond3A_114 : i32
      scf.if %cond3A_115 {
        %add3A_117 = arith.addi %select_n3A_8, %while3A_85 : i32
        %add3A_118 = arith.constant 2 : i32
        %add3A_119 = arith.addi %add3A_117, %add3A_118 : i32
        %dma_start3A_120 = arith.constant 0 : i32
        %dma_start3A_121 = arith.constant 0 : i32
        %dma_start3A_122 = tpu.memref_slice %arg5[%rem3A_96, %dma_start3A_120, %dma_start3A_121] : memref<3x2x128xi32, #tpu.memory_space<vmem>> -> memref<1x2x128xi32, #tpu.memory_space<vmem>>
        %dma_start3A_123 = tpu.memref_squeeze %dma_start3A_122 : memref<1x2x128xi32, #tpu.memory_space<vmem>> -> memref<2x128xi32, #tpu.memory_space<vmem>>
        %dma_start3A_124 = arith.constant 0 : i32
        %dma_start3A_125 = arith.constant 0 : i32
        %dma_start3A_126 = tpu.memref_slice %arg3[%add3A_119, %dma_start3A_124, %dma_start3A_125] : memref<2528x2x128xi32, #tpu.memory_space<hbm>> -> memref<1x2x128xi32, #tpu.memory_space<hbm>>
        %dma_start3A_127 = tpu.memref_squeeze %dma_start3A_126 : memref<1x2x128xi32, #tpu.memory_space<hbm>> -> memref<2x128xi32, #tpu.memory_space<hbm>>
        %dma_start3A_128 = arith.constant 0 : i32
        %dma_start3A_129 = arith.constant 0 : i32
        %dma_start3A_130 = tpu.memref_slice %arg5[%rem3A_96, %dma_start3A_128, %dma_start3A_129] : memref<3x2x128xi32, #tpu.memory_space<vmem>> -> memref<1x2x128xi32, #tpu.memory_space<vmem>>
        %dma_start3A_131 = tpu.memref_squeeze %dma_start3A_130 : memref<1x2x128xi32, #tpu.memory_space<vmem>> -> memref<2x128xi32, #tpu.memory_space<vmem>>
        %dma_start3A_132 = arith.constant 0 : i32
        %dma_start3A_133 = arith.constant 0 : i32
        %dma_start3A_134 = tpu.memref_slice %arg3[%add3A_119, %dma_start3A_132, %dma_start3A_133] : memref<2528x2x128xi32, #tpu.memory_space<hbm>> -> memref<1x2x128xi32, #tpu.memory_space<hbm>>
        %dma_start3A_135 = tpu.memref_squeeze %dma_start3A_134 : memref<1x2x128xi32, #tpu.memory_space<hbm>> -> memref<2x128xi32, #tpu.memory_space<hbm>>
        tpu.enqueue_dma source(%dma_start3A_135 : memref<2x128xi32, #tpu.memory_space<hbm>>) target(%dma_start3A_131 : memref<2x128xi32, #tpu.memory_space<vmem>>) target_semaphore(%arg9 : memref<!tpu.dma_semaphore, #tpu.memory_space<semaphore_mem>>)
      } else {
      }
      %run_scoped3A_116 = arith.constant 1 : i32
      "tpu.region"() ({
        %run_scoped3A_117 = tpu.sem_alloc : memref<!tpu.dma_semaphore, #tpu.memory_space<semaphore_mem>>
        %dma_start3A_118 = arith.constant 0 : i32
        %dma_start3A_119 = arith.constant 0 : i32
        %dma_start3A_120 = tpu.memref_slice %arg6[%rem3A_86, %dma_start3A_118, %dma_start3A_119] : memref<2x128x128xf32, #tpu.memory_space<vmem>> -> memref<1x128x128xf32, #tpu.memory_space<vmem>>
        %dma_start3A_121 = tpu.memref_squeeze %dma_start3A_120 : memref<1x128x128xf32, #tpu.memory_space<vmem>> -> memref<128x128xf32, #tpu.memory_space<vmem>>
        %dma_start3A_122 = arith.constant 0 : i32
        %dma_start3A_123 = tpu.memref_slice %arg5[%rem3A_88, %run_scoped3A_116, %dma_start3A_122] : memref<3x2x128xi32, #tpu.memory_space<vmem>> -> memref<1x1x128xi32, #tpu.memory_space<vmem>>
        %dma_start3A_124 = tpu.memref_squeeze %dma_start3A_123 : memref<1x1x128xi32, #tpu.memory_space<vmem>> -> memref<128xi32, #tpu.memory_space<vmem>>
        %dma_start3A_125 = arith.constant 0 : i32
        %dma_start3A_126 = arith.constant 0 : i32
        %dma_start3A_127 = tpu.memref_slice %arg7[%dma_start3A_125, %dma_start3A_126] : memref<10112x128xf32, #tpu.memory_space<vmem_shared>> -> memref<10112x128xf32, #tpu.memory_space<vmem_shared>>
        tpu.enqueue_indirect_dma source(%dma_start3A_121 : memref<128x128xf32, #tpu.memory_space<vmem>>) target(%dma_start3A_127 : memref<10112x128xf32, #tpu.memory_space<vmem_shared>>) offsets(%dma_start3A_124 : memref<128xi32, #tpu.memory_space<vmem>>) semaphore(%run_scoped3A_117 : memref<!tpu.dma_semaphore, #tpu.memory_space<semaphore_mem>>) {add = true}
        %dma_wait3A_128 = arith.constant 0 : i32
        %dma_wait3A_129 = arith.constant 0 : i32
        %dma_wait3A_130 = tpu.memref_slice %arg6[%rem3A_86, %dma_wait3A_128, %dma_wait3A_129] : memref<2x128x128xf32, #tpu.memory_space<vmem>> -> memref<1x128x128xf32, #tpu.memory_space<vmem>>
        %dma_wait3A_131 = tpu.memref_squeeze %dma_wait3A_130 : memref<1x128x128xf32, #tpu.memory_space<vmem>> -> memref<128x128xf32, #tpu.memory_space<vmem>>
        %dma_wait3A_132 = arith.constant 0 : i32
        %dma_wait3A_133 = tpu.memref_slice %arg5[%rem3A_88, %run_scoped3A_116, %dma_wait3A_132] : memref<3x2x128xi32, #tpu.memory_space<vmem>> -> memref<1x1x128xi32, #tpu.memory_space<vmem>>
        %dma_wait3A_134 = tpu.memref_squeeze %dma_wait3A_133 : memref<1x1x128xi32, #tpu.memory_space<vmem>> -> memref<128xi32, #tpu.memory_space<vmem>>
        %dma_wait3A_135 = arith.constant 0 : i32
        %dma_wait3A_136 = arith.constant 0 : i32
        %dma_wait3A_137 = tpu.memref_slice %arg7[%dma_wait3A_135, %dma_wait3A_136] : memref<10112x128xf32, #tpu.memory_space<vmem_shared>> -> memref<10112x128xf32, #tpu.memory_space<vmem_shared>>
        tpu.wait_indirect_dma semaphore(%run_scoped3A_117 : memref<!tpu.dma_semaphore, #tpu.memory_space<semaphore_mem>>) src(%dma_wait3A_131 : memref<128x128xf32, #tpu.memory_space<vmem>>) dst(%dma_wait3A_137 : memref<10112x128xf32, #tpu.memory_space<vmem_shared>>)
        tpu.yield
      }) : () -> ()
    }
    %while3A_79 = arith.constant 1 : i32
    scf.for %while3A_85 = %while3A_77 to %while3A_73 step %while3A_79  : i32 {
      %rem3A = arith.constant 2 : i32
      %rem3A_86 = arith.remsi %while3A_85, %rem3A : i32
      %rem3A_87 = arith.constant 3 : i32
      %rem3A_88 = arith.remsi %while3A_85, %rem3A_87 : i32
      %add3A_89 = arith.constant 1 : i32
      %add3A_90 = arith.addi %while3A_85, %add3A_89 : i32
      %rem3A_91 = arith.constant 3 : i32
      %rem3A_92 = arith.remsi %add3A_90, %rem3A_91 : i32
      %add3A_93 = arith.constant 2 : i32
      %add3A_94 = arith.addi %while3A_85, %add3A_93 : i32
      %rem3A_95 = arith.constant 3 : i32
      %rem3A_96 = arith.remsi %add3A_94, %rem3A_95 : i32
      %dma_wait3A = arith.constant 0 : i32
      %dma_wait3A_97 = arith.constant 0 : i32
      %dma_wait3A_98 = arith.constant 0 : i32
      %dma_wait3A_99 = tpu.memref_slice %arg6[%rem3A_86, %dma_wait3A_97, %dma_wait3A_98] : memref<2x128x128xf32, #tpu.memory_space<vmem>> -> memref<1x128x128xf32, #tpu.memory_space<vmem>>
      %dma_wait3A_100 = tpu.memref_squeeze %dma_wait3A_99 : memref<1x128x128xf32, #tpu.memory_space<vmem>> -> memref<128x128xf32, #tpu.memory_space<vmem>>
      %dma_wait3A_101 = arith.constant 0 : i32
      %dma_wait3A_102 = tpu.memref_slice %arg5[%rem3A_88, %dma_wait3A, %dma_wait3A_101] : memref<3x2x128xi32, #tpu.memory_space<vmem>> -> memref<1x1x128xi32, #tpu.memory_space<vmem>>
      %dma_wait3A_103 = tpu.memref_squeeze %dma_wait3A_102 : memref<1x1x128xi32, #tpu.memory_space<vmem>> -> memref<128xi32, #tpu.memory_space<vmem>>
      %dma_wait3A_104 = arith.constant 0 : i32
      %dma_wait3A_105 = arith.constant 0 : i32
      %dma_wait3A_106 = tpu.memref_slice %arg2[%dma_wait3A_104, %dma_wait3A_105] : memref<10000x128xf32, #tpu.memory_space<hbm>> -> memref<10000x128xf32, #tpu.memory_space<hbm>>
      tpu.wait_indirect_dma semaphore(%arg8 : memref<!tpu.dma_semaphore, #tpu.memory_space<semaphore_mem>>) src(%dma_wait3A_106 : memref<10000x128xf32, #tpu.memory_space<hbm>>) dst(%dma_wait3A_100 : memref<128x128xf32, #tpu.memory_space<vmem>>)
      %add3A_107 = arith.constant 1 : i32
      %add3A_108 = arith.addi %while3A_85, %add3A_107 : i32
      %lt3A = arith.cmpi slt, %add3A_108, %select_n3A : i32
      %convert_element_type3A = arith.extui %lt3A : i1 to i32
      %cond3A = arith.constant 0 : i32
      %cond3A_109 = arith.cmpi ne, %convert_element_type3A, %cond3A : i32
      scf.if %cond3A_109 {
        %add3A_117 = arith.addi %select_n3A_8, %while3A_85 : i32
        %add3A_118 = arith.constant 1 : i32
        %add3A_119 = arith.addi %add3A_117, %add3A_118 : i32
        %dma_wait3A_120 = arith.constant 0 : i32
        %dma_wait3A_121 = arith.constant 0 : i32
        %dma_wait3A_122 = tpu.memref_slice %arg5[%rem3A_92, %dma_wait3A_120, %dma_wait3A_121] : memref<3x2x128xi32, #tpu.memory_space<vmem>> -> memref<1x2x128xi32, #tpu.memory_space<vmem>>
        %dma_wait3A_123 = tpu.memref_squeeze %dma_wait3A_122 : memref<1x2x128xi32, #tpu.memory_space<vmem>> -> memref<2x128xi32, #tpu.memory_space<vmem>>
        %dma_wait3A_124 = arith.constant 0 : i32
        %dma_wait3A_125 = arith.constant 0 : i32
        %dma_wait3A_126 = tpu.memref_slice %arg3[%add3A_119, %dma_wait3A_124, %dma_wait3A_125] : memref<2528x2x128xi32, #tpu.memory_space<hbm>> -> memref<1x2x128xi32, #tpu.memory_space<hbm>>
        %dma_wait3A_127 = tpu.memref_squeeze %dma_wait3A_126 : memref<1x2x128xi32, #tpu.memory_space<hbm>> -> memref<2x128xi32, #tpu.memory_space<hbm>>
        %dma_wait3A_128 = arith.constant 0 : i32
        %dma_wait3A_129 = arith.constant 0 : i32
        %dma_wait3A_130 = tpu.memref_slice %arg5[%rem3A_92, %dma_wait3A_128, %dma_wait3A_129] : memref<3x2x128xi32, #tpu.memory_space<vmem>> -> memref<1x2x128xi32, #tpu.memory_space<vmem>>
        %dma_wait3A_131 = tpu.memref_squeeze %dma_wait3A_130 : memref<1x2x128xi32, #tpu.memory_space<vmem>> -> memref<2x128xi32, #tpu.memory_space<vmem>>
        %dma_wait3A_132 = arith.constant 0 : i32
        %dma_wait3A_133 = arith.constant 0 : i32
        %dma_wait3A_134 = tpu.memref_slice %arg3[%add3A_119, %dma_wait3A_132, %dma_wait3A_133] : memref<2528x2x128xi32, #tpu.memory_space<hbm>> -> memref<1x2x128xi32, #tpu.memory_space<hbm>>
        %dma_wait3A_135 = tpu.memref_squeeze %dma_wait3A_134 : memref<1x2x128xi32, #tpu.memory_space<hbm>> -> memref<2x128xi32, #tpu.memory_space<hbm>>
        tpu.wait_dma2 semaphore(%arg9 : memref<!tpu.dma_semaphore, #tpu.memory_space<semaphore_mem>>) src(%dma_wait3A_135 : memref<2x128xi32, #tpu.memory_space<hbm>>) dst(%dma_wait3A_131 : memref<2x128xi32, #tpu.memory_space<vmem>>)
        %sub3A = arith.constant 1 : i32
        %sub3A_136 = arith.subi %sub3A, %rem3A_86 : i32
        %dma_start3A_137 = arith.constant 0 : i32
        %dma_start3A_138 = arith.constant 0 : i32
        %dma_start3A_139 = arith.constant 0 : i32
        %dma_start3A_140 = tpu.memref_slice %arg6[%sub3A_136, %dma_start3A_138, %dma_start3A_139] : memref<2x128x128xf32, #tpu.memory_space<vmem>> -> memref<1x128x128xf32, #tpu.memory_space<vmem>>
        %dma_start3A_141 = tpu.memref_squeeze %dma_start3A_140 : memref<1x128x128xf32, #tpu.memory_space<vmem>> -> memref<128x128xf32, #tpu.memory_space<vmem>>
        %dma_start3A_142 = arith.constant 0 : i32
        %dma_start3A_143 = tpu.memref_slice %arg5[%rem3A_92, %dma_start3A_137, %dma_start3A_142] : memref<3x2x128xi32, #tpu.memory_space<vmem>> -> memref<1x1x128xi32, #tpu.memory_space<vmem>>
        %dma_start3A_144 = tpu.memref_squeeze %dma_start3A_143 : memref<1x1x128xi32, #tpu.memory_space<vmem>> -> memref<128xi32, #tpu.memory_space<vmem>>
        %dma_start3A_145 = arith.constant 0 : i32
        %dma_start3A_146 = arith.constant 0 : i32
        %dma_start3A_147 = tpu.memref_slice %arg2[%dma_start3A_145, %dma_start3A_146] : memref<10000x128xf32, #tpu.memory_space<hbm>> -> memref<10000x128xf32, #tpu.memory_space<hbm>>
        tpu.enqueue_indirect_dma source(%dma_start3A_147 : memref<10000x128xf32, #tpu.memory_space<hbm>>) target(%dma_start3A_141 : memref<128x128xf32, #tpu.memory_space<vmem>>) offsets(%dma_start3A_144 : memref<128xi32, #tpu.memory_space<vmem>>) semaphore(%arg8 : memref<!tpu.dma_semaphore, #tpu.memory_space<semaphore_mem>>)
      } else {
      }
      %add3A_110 = arith.constant 2 : i32
      %add3A_111 = arith.addi %while3A_85, %add3A_110 : i32
      %lt3A_112 = arith.cmpi slt, %add3A_111, %select_n3A : i32
      %convert_element_type3A_113 = arith.extui %lt3A_112 : i1 to i32
      %cond3A_114 = arith.constant 0 : i32
      %cond3A_115 = arith.cmpi ne, %convert_element_type3A_113, %cond3A_114 : i32
      scf.if %cond3A_115 {
        %add3A_117 = arith.addi %select_n3A_8, %while3A_85 : i32
        %add3A_118 = arith.constant 2 : i32
        %add3A_119 = arith.addi %add3A_117, %add3A_118 : i32
        %dma_start3A_120 = arith.constant 0 : i32
        %dma_start3A_121 = arith.constant 0 : i32
        %dma_start3A_122 = tpu.memref_slice %arg5[%rem3A_96, %dma_start3A_120, %dma_start3A_121] : memref<3x2x128xi32, #tpu.memory_space<vmem>> -> memref<1x2x128xi32, #tpu.memory_space<vmem>>
        %dma_start3A_123 = tpu.memref_squeeze %dma_start3A_122 : memref<1x2x128xi32, #tpu.memory_space<vmem>> -> memref<2x128xi32, #tpu.memory_space<vmem>>
        %dma_start3A_124 = arith.constant 0 : i32
        %dma_start3A_125 = arith.constant 0 : i32
        %dma_start3A_126 = tpu.memref_slice %arg3[%add3A_119, %dma_start3A_124, %dma_start3A_125] : memref<2528x2x128xi32, #tpu.memory_space<hbm>> -> memref<1x2x128xi32, #tpu.memory_space<hbm>>
        %dma_start3A_127 = tpu.memref_squeeze %dma_start3A_126 : memref<1x2x128xi32, #tpu.memory_space<hbm>> -> memref<2x128xi32, #tpu.memory_space<hbm>>
        %dma_start3A_128 = arith.constant 0 : i32
        %dma_start3A_129 = arith.constant 0 : i32
        %dma_start3A_130 = tpu.memref_slice %arg5[%rem3A_96, %dma_start3A_128, %dma_start3A_129] : memref<3x2x128xi32, #tpu.memory_space<vmem>> -> memref<1x2x128xi32, #tpu.memory_space<vmem>>
        %dma_start3A_131 = tpu.memref_squeeze %dma_start3A_130 : memref<1x2x128xi32, #tpu.memory_space<vmem>> -> memref<2x128xi32, #tpu.memory_space<vmem>>
        %dma_start3A_132 = arith.constant 0 : i32
        %dma_start3A_133 = arith.constant 0 : i32
        %dma_start3A_134 = tpu.memref_slice %arg3[%add3A_119, %dma_start3A_132, %dma_start3A_133] : memref<2528x2x128xi32, #tpu.memory_space<hbm>> -> memref<1x2x128xi32, #tpu.memory_space<hbm>>
        %dma_start3A_135 = tpu.memref_squeeze %dma_start3A_134 : memref<1x2x128xi32, #tpu.memory_space<hbm>> -> memref<2x128xi32, #tpu.memory_space<hbm>>
        tpu.enqueue_dma source(%dma_start3A_135 : memref<2x128xi32, #tpu.memory_space<hbm>>) target(%dma_start3A_131 : memref<2x128xi32, #tpu.memory_space<vmem>>) target_semaphore(%arg9 : memref<!tpu.dma_semaphore, #tpu.memory_space<semaphore_mem>>)
      } else {
      }
      %run_scoped3A_116 = arith.constant 1 : i32
      "tpu.region"() ({
        %run_scoped3A_117 = tpu.sem_alloc : memref<!tpu.dma_semaphore, #tpu.memory_space<semaphore_mem>>
        %dma_start3A_118 = arith.constant 0 : i32
        %dma_start3A_119 = arith.constant 0 : i32
        %dma_start3A_120 = tpu.memref_slice %arg6[%rem3A_86, %dma_start3A_118, %dma_start3A_119] : memref<2x128x128xf32, #tpu.memory_space<vmem>> -> memref<1x128x128xf32, #tpu.memory_space<vmem>>
        %dma_start3A_121 = tpu.memref_squeeze %dma_start3A_120 : memref<1x128x128xf32, #tpu.memory_space<vmem>> -> memref<128x128xf32, #tpu.memory_space<vmem>>
        %dma_start3A_122 = arith.constant 0 : i32
        %dma_start3A_123 = tpu.memref_slice %arg5[%rem3A_88, %run_scoped3A_116, %dma_start3A_122] : memref<3x2x128xi32, #tpu.memory_space<vmem>> -> memref<1x1x128xi32, #tpu.memory_space<vmem>>
        %dma_start3A_124 = tpu.memref_squeeze %dma_start3A_123 : memref<1x1x128xi32, #tpu.memory_space<vmem>> -> memref<128xi32, #tpu.memory_space<vmem>>
        %dma_start3A_125 = arith.constant 0 : i32
        %dma_start3A_126 = arith.constant 0 : i32
        %dma_start3A_127 = tpu.memref_slice %arg7[%dma_start3A_125, %dma_start3A_126] : memref<10112x128xf32, #tpu.memory_space<vmem_shared>> -> memref<10112x128xf32, #tpu.memory_space<vmem_shared>>
        tpu.enqueue_indirect_dma source(%dma_start3A_121 : memref<128x128xf32, #tpu.memory_space<vmem>>) target(%dma_start3A_127 : memref<10112x128xf32, #tpu.memory_space<vmem_shared>>) offsets(%dma_start3A_124 : memref<128xi32, #tpu.memory_space<vmem>>) semaphore(%run_scoped3A_117 : memref<!tpu.dma_semaphore, #tpu.memory_space<semaphore_mem>>) {add = true}
        %dma_wait3A_128 = arith.constant 0 : i32
        %dma_wait3A_129 = arith.constant 0 : i32
        %dma_wait3A_130 = tpu.memref_slice %arg6[%rem3A_86, %dma_wait3A_128, %dma_wait3A_129] : memref<2x128x128xf32, #tpu.memory_space<vmem>> -> memref<1x128x128xf32, #tpu.memory_space<vmem>>
        %dma_wait3A_131 = tpu.memref_squeeze %dma_wait3A_130 : memref<1x128x128xf32, #tpu.memory_space<vmem>> -> memref<128x128xf32, #tpu.memory_space<vmem>>
        %dma_wait3A_132 = arith.constant 0 : i32
        %dma_wait3A_133 = tpu.memref_slice %arg5[%rem3A_88, %run_scoped3A_116, %dma_wait3A_132] : memref<3x2x128xi32, #tpu.memory_space<vmem>> -> memref<1x1x128xi32, #tpu.memory_space<vmem>>
        %dma_wait3A_134 = tpu.memref_squeeze %dma_wait3A_133 : memref<1x1x128xi32, #tpu.memory_space<vmem>> -> memref<128xi32, #tpu.memory_space<vmem>>
        %dma_wait3A_135 = arith.constant 0 : i32
        %dma_wait3A_136 = arith.constant 0 : i32
        %dma_wait3A_137 = tpu.memref_slice %arg7[%dma_wait3A_135, %dma_wait3A_136] : memref<10112x128xf32, #tpu.memory_space<vmem_shared>> -> memref<10112x128xf32, #tpu.memory_space<vmem_shared>>
        tpu.wait_indirect_dma semaphore(%run_scoped3A_117 : memref<!tpu.dma_semaphore, #tpu.memory_space<semaphore_mem>>) src(%dma_wait3A_131 : memref<128x128xf32, #tpu.memory_space<vmem>>) dst(%dma_wait3A_137 : memref<10112x128xf32, #tpu.memory_space<vmem_shared>>)
        tpu.yield
      }) : () -> ()
    }
    %barrier3A_80 = arith.constant 0 : index
    tpu.barrier barrier_id(%barrier3A_80)
    %mul3A_81 = arith.constant 632 : i32
    %mul3A_82 = arith.muli %arg1, %mul3A_81 : i32
    %mul3A_83 = arith.constant 632 : i32
    %mul3A_84 = arith.muli %arg1, %mul3A_83 : i32
    "tpu.region"() ({
      %run_scoped3A_85 = tpu.sem_alloc : memref<!tpu.dma_semaphore, #tpu.memory_space<semaphore_mem>>
      %dma_start3A_86 = arith.constant 0 : i32
      %dma_start3A_87 = tpu.memref_slice %arg4[%arg0, %mul3A_84, %dma_start3A_86] : memref<2x10112x128xf32, #tpu.memory_space<hbm>> -> memref<1x632x128xf32, #tpu.memory_space<hbm>>
      %dma_start3A_88 = tpu.memref_squeeze %dma_start3A_87 : memref<1x632x128xf32, #tpu.memory_space<hbm>> -> memref<632x128xf32, #tpu.memory_space<hbm>>
      %dma_start3A_89 = arith.constant 0 : i32
      %dma_start3A_90 = tpu.memref_slice %arg7[%mul3A_82, %dma_start3A_89] : memref<10112x128xf32, #tpu.memory_space<vmem_shared>> -> memref<632x128xf32, #tpu.memory_space<vmem_shared>>
      tpu.enqueue_dma source(%dma_start3A_90 : memref<632x128xf32, #tpu.memory_space<vmem_shared>>) target(%dma_start3A_88 : memref<632x128xf32, #tpu.memory_space<hbm>>) target_semaphore(%run_scoped3A_85 : memref<!tpu.dma_semaphore, #tpu.memory_space<semaphore_mem>>)
      %dma_wait3A = arith.constant 0 : i32
      %dma_wait3A_91 = tpu.memref_slice %arg4[%arg0, %mul3A_84, %dma_wait3A] : memref<2x10112x128xf32, #tpu.memory_space<hbm>> -> memref<1x632x128xf32, #tpu.memory_space<hbm>>
      %dma_wait3A_92 = tpu.memref_squeeze %dma_wait3A_91 : memref<1x632x128xf32, #tpu.memory_space<hbm>> -> memref<632x128xf32, #tpu.memory_space<hbm>>
      %dma_wait3A_93 = arith.constant 0 : i32
      %dma_wait3A_94 = tpu.memref_slice %arg7[%mul3A_82, %dma_wait3A_93] : memref<10112x128xf32, #tpu.memory_space<vmem_shared>> -> memref<632x128xf32, #tpu.memory_space<vmem_shared>>
      tpu.wait_dma2 semaphore(%run_scoped3A_85 : memref<!tpu.dma_semaphore, #tpu.memory_space<semaphore_mem>>) src(%dma_wait3A_94 : memref<632x128xf32, #tpu.memory_space<vmem_shared>>) dst(%dma_wait3A_92 : memref<632x128xf32, #tpu.memory_space<hbm>>)
      tpu.yield
    }) : () -> ()
    return
  }
}

module attributes {stable_mosaic.version = 14 : i64} {
  func.func @_dense_body(%arg0: i32, %arg1: memref<2x1000x128xf32, #tpu.memory_space<vmem>>, %arg2: memref<1000x128xf32, #tpu.memory_space<vmem>>, %arg3: memref<1000x128xf32, #tpu.memory_space<vmem>>, %arg4: memref<128x512xf32, #tpu.memory_space<vmem>>, %arg5: memref<128x512xf32, #tpu.memory_space<vmem>>, %arg6: memref<1x512xf32, #tpu.memory_space<vmem>>, %arg7: memref<1000x128xf32, #tpu.memory_space<vmem>>, %arg8: memref<1000x128xf32, #tpu.memory_space<vmem>>) attributes {dimension_semantics = [#tpu.dimension_semantics<arbitrary>], iteration_bounds = array<i64: 10>, scalar_prefetch = 0 : i64, scratch_operands = 0 : i64, tpu.core_type = #tpu.core_type<tc>, window_params = [{transform_indices = @transform_0, window_bounds = array<i64: 2, 1000, 128>}, {transform_indices = @transform_1, window_bounds = array<i64: 1000, 128>}, {transform_indices = @transform_2, window_bounds = array<i64: 1000, 128>}, {pipeline_mode = #tpu.pipeline_mode<synchronous>, transform_indices = @transform_3, window_bounds = array<i64: 128, 512>}, {pipeline_mode = #tpu.pipeline_mode<synchronous>, transform_indices = @transform_4, window_bounds = array<i64: 128, 512>}, {pipeline_mode = #tpu.pipeline_mode<synchronous>, transform_indices = @transform_5, window_bounds = array<i64: 1, 512>}, {transform_indices = @transform_6, window_bounds = array<i64: 1000, 128>}, {transform_indices = @transform_7, window_bounds = array<i64: 1000, 128>}]} {
    %get3A = arith.constant 0 : index
    %get3A_0 = arith.constant 0 : index
    %get3A_1 = arith.constant 0 : index
    %get3A_2 = vector.load %arg1[%get3A, %get3A_0, %get3A_1] : memref<2x1000x128xf32, #tpu.memory_space<vmem>>, vector<1x1000x128xf32>
    %get3A_3 = vector.shape_cast %get3A_2 : vector<1x1000x128xf32> to vector<1000x128xf32>
    %get3A_4 = arith.constant 1 : index
    %get3A_5 = arith.constant 0 : index
    %get3A_6 = arith.constant 0 : index
    %get3A_7 = vector.load %arg1[%get3A_4, %get3A_5, %get3A_6] : memref<2x1000x128xf32, #tpu.memory_space<vmem>>, vector<1x1000x128xf32>
    %get3A_8 = vector.shape_cast %get3A_7 : vector<1x1000x128xf32> to vector<1000x128xf32>
    %add3A = arith.addf %get3A_3, %get3A_8 : vector<1000x128xf32>
    %get3A_9 = arith.constant 0 : index
    %get3A_10 = arith.constant 0 : index
    %get3A_11 = vector.load %arg4[%get3A_9, %get3A_10] : memref<128x512xf32, #tpu.memory_space<vmem>>, vector<128x512xf32>
    %dot_general3A = arith.constant dense<0.000000e+00> : vector<1000x512xf32>
    %dot_general3A_12 = tpu.matmul %add3A, %get3A_11, %dot_general3A {dimension_numbers = #tpu.dot_dimension_numbers<[1], [0], [0], [1], [0, 0, 1, 1], [], []>, transpose_lhs_hint = false} : vector<1000x128xf32>, vector<128x512xf32>, vector<1000x512xf32> -> vector<1000x512xf32>
    %get3A_13 = arith.constant 0 : index
    %get3A_14 = arith.constant 0 : index
    %get3A_15 = vector.load %arg2[%get3A_13, %get3A_14] : memref<1000x128xf32, #tpu.memory_space<vmem>>, vector<1000x128xf32>
    %get3A_16 = arith.constant 0 : index
    %get3A_17 = arith.constant 0 : index
    %get3A_18 = vector.load %arg5[%get3A_16, %get3A_17] : memref<128x512xf32, #tpu.memory_space<vmem>>, vector<128x512xf32>
    %dot_general3A_19 = arith.constant dense<0.000000e+00> : vector<1000x512xf32>
    %dot_general3A_20 = tpu.matmul %get3A_15, %get3A_18, %dot_general3A_19 {dimension_numbers = #tpu.dot_dimension_numbers<[1], [0], [0], [1], [0, 0, 1, 1], [], []>, transpose_lhs_hint = false} : vector<1000x128xf32>, vector<128x512xf32>, vector<1000x512xf32> -> vector<1000x512xf32>
    %add3A_21 = arith.addf %dot_general3A_12, %dot_general3A_20 : vector<1000x512xf32>
    %get3A_22 = arith.constant 0 : index
    %get3A_23 = arith.constant 0 : index
    %get3A_24 = vector.load %arg6[%get3A_22, %get3A_23] : memref<1x512xf32, #tpu.memory_space<vmem>>, vector<1x512xf32>
    %add3A_25 = vector.broadcast %get3A_24 : vector<1x512xf32> to vector<1000x512xf32>
    %add3A_26 = arith.addf %add3A_21, %add3A_25 : vector<1000x512xf32>
    %slice3A = vector.extract_strided_slice %add3A_26 {offsets = [0, 0], sizes = [1000, 128], strides = [1, 1]} : vector<1000x512xf32> to vector<1000x128xf32>
    %tanh3A = math.tanh %slice3A : vector<1000x128xf32>
    %slice3A_27 = vector.extract_strided_slice %add3A_26 {offsets = [0, 128], sizes = [1000, 128], strides = [1, 1]} : vector<1000x512xf32> to vector<1000x128xf32>
    %logistic3A = arith.negf %slice3A_27 : vector<1000x128xf32>
    %logistic3A_28 = math.exp %logistic3A : vector<1000x128xf32>
    %logistic3A_29 = arith.constant 1.000000e+00 : f32
    %logistic3A_30 = vector.broadcast %logistic3A_29 : f32 to vector<1000x128xf32>
    %logistic3A_31 = arith.addf %logistic3A_30, %logistic3A_28 : vector<1000x128xf32>
    %logistic3A_32 = arith.divf %logistic3A_30, %logistic3A_31 : vector<1000x128xf32>
    %slice3A_33 = vector.extract_strided_slice %add3A_26 {offsets = [0, 256], sizes = [1000, 128], strides = [1, 1]} : vector<1000x512xf32> to vector<1000x128xf32>
    %logistic3A_34 = arith.negf %slice3A_33 : vector<1000x128xf32>
    %logistic3A_35 = math.exp %logistic3A_34 : vector<1000x128xf32>
    %logistic3A_36 = arith.constant 1.000000e+00 : f32
    %logistic3A_37 = vector.broadcast %logistic3A_36 : f32 to vector<1000x128xf32>
    %logistic3A_38 = arith.addf %logistic3A_37, %logistic3A_35 : vector<1000x128xf32>
    %logistic3A_39 = arith.divf %logistic3A_37, %logistic3A_38 : vector<1000x128xf32>
    %slice3A_40 = vector.extract_strided_slice %add3A_26 {offsets = [0, 384], sizes = [1000, 128], strides = [1, 1]} : vector<1000x512xf32> to vector<1000x128xf32>
    %logistic3A_41 = arith.negf %slice3A_40 : vector<1000x128xf32>
    %logistic3A_42 = math.exp %logistic3A_41 : vector<1000x128xf32>
    %logistic3A_43 = arith.constant 1.000000e+00 : f32
    %logistic3A_44 = vector.broadcast %logistic3A_43 : f32 to vector<1000x128xf32>
    %logistic3A_45 = arith.addf %logistic3A_44, %logistic3A_42 : vector<1000x128xf32>
    %logistic3A_46 = arith.divf %logistic3A_44, %logistic3A_45 : vector<1000x128xf32>
    %get3A_47 = arith.constant 0 : index
    %get3A_48 = arith.constant 0 : index
    %get3A_49 = vector.load %arg3[%get3A_47, %get3A_48] : memref<1000x128xf32, #tpu.memory_space<vmem>>, vector<1000x128xf32>
    %mul3A = arith.mulf %logistic3A_39, %get3A_49 : vector<1000x128xf32>
    %mul3A_50 = arith.mulf %logistic3A_32, %tanh3A : vector<1000x128xf32>
    %add3A_51 = arith.addf %mul3A, %mul3A_50 : vector<1000x128xf32>
    %swap3A = arith.constant 0 : index
    %swap3A_52 = arith.constant 0 : index
    %swap3A_53 = vector.load %arg8[%swap3A, %swap3A_52] : memref<1000x128xf32, #tpu.memory_space<vmem>>, vector<1000x128xf32>
    tpu.vector_store %arg8[%swap3A, %swap3A_52], %add3A_51 {strides = array<i32>} : memref<1000x128xf32, #tpu.memory_space<vmem>>, vector<1000x128xf32>,
    %tanh3A_54 = math.tanh %add3A_51 : vector<1000x128xf32>
    %mul3A_55 = arith.mulf %logistic3A_46, %tanh3A_54 : vector<1000x128xf32>
    %swap3A_56 = arith.constant 0 : index
    %swap3A_57 = arith.constant 0 : index
    %swap3A_58 = vector.load %arg7[%swap3A_56, %swap3A_57] : memref<1000x128xf32, #tpu.memory_space<vmem>>, vector<1000x128xf32>
    tpu.vector_store %arg7[%swap3A_56, %swap3A_57], %mul3A_55 {strides = array<i32>} : memref<1000x128xf32, #tpu.memory_space<vmem>>, vector<1000x128xf32>,
    return
  }
  func.func @transform_0(%arg0: i32) -> (i32, i32, i32) {
    %c0_i32 = arith.constant 0 : i32
    %c0_i32_0 = arith.constant 0 : i32
    %c0_i32_1 = arith.constant 0 : i32
    return %c0_i32, %arg0, %c0_i32_0 : i32, i32, i32
  }
  func.func @transform_1(%arg0: i32) -> (i32, i32) {
    %c0_i32 = arith.constant 0 : i32
    %c0_i32_0 = arith.constant 0 : i32
    return %arg0, %c0_i32 : i32, i32
  }
  func.func @transform_2(%arg0: i32) -> (i32, i32) {
    %c0_i32 = arith.constant 0 : i32
    %c0_i32_0 = arith.constant 0 : i32
    return %arg0, %c0_i32 : i32, i32
  }
  func.func @transform_3(%arg0: i32) -> (i32, i32) {
    %c0_i32 = arith.constant 0 : i32
    %c0_i32_0 = arith.constant 0 : i32
    %c0_i32_1 = arith.constant 0 : i32
    return %c0_i32, %c0_i32_0 : i32, i32
  }
  func.func @transform_4(%arg0: i32) -> (i32, i32) {
    %c0_i32 = arith.constant 0 : i32
    %c0_i32_0 = arith.constant 0 : i32
    %c0_i32_1 = arith.constant 0 : i32
    return %c0_i32, %c0_i32_0 : i32, i32
  }
  func.func @transform_5(%arg0: i32) -> (i32, i32) {
    %c0_i32 = arith.constant 0 : i32
    %c0_i32_0 = arith.constant 0 : i32
    %c0_i32_1 = arith.constant 0 : i32
    return %c0_i32, %c0_i32_0 : i32, i32
  }
  func.func @transform_6(%arg0: i32) -> (i32, i32) {
    %c0_i32 = arith.constant 0 : i32
    %c0_i32_0 = arith.constant 0 : i32
    return %arg0, %c0_i32 : i32, i32
  }
  func.func @transform_7(%arg0: i32) -> (i32, i32) {
    %c0_i32 = arith.constant 0 : i32
    %c0_i32_0 = arith.constant 0 : i32
    return %arg0, %c0_i32 : i32, i32
  }
}

</mosaic_0001>

<sc_bundles>
// kernel: kernel.4.cloned.1.call-start
scs
__scs_entry_jumppad:
0x0: {  	(pc) =	sbr.rel $0x88, $3  }
0x1: {  	(tag) =	ssettag $0x0;
	lr =	simm.s32 $0x1  }
0x2: {  	[smem:$0x3F91] =	sst lr;
	_ =	strace $0xD0000000  }
0x3: {  	_ = 	snop  }
0x4: {  	_ = 	snop  }
0x5: {  	_ = 	snop  }
0x6: {  	_ = 	snop  }
0x7: {  	_ = 	snop  }
__scs_overlays_trampoline_lowered:
0x8: {  	[smem:$0x3FA0] =	sst s0  }
0x9: {  	[smem:$0x3FA1] =	sst s1  }
0xa: {  	[smem:$0x3FA2] =	sst s2  }
0xb: {  	[smem:$0x3FA3] =	sst s3  }
0xc: {  	[smem:$0x3FA4] =	sst s4  }
0xd: {  	[smem:$0x3FA5] =	sst s5  }
0xe: {  	[smem:$0x3FA6] =	sst s6  }
0xf: {  	[smem:$0x3FA7] =	sst s7  }
0x10: {  	[smem:$0x3FA8] =	sst s8  }
0x11: {  	[smem:$0x3FA9] =	sst s9;
	s0 =	simm.s32 @!p0 $0x0  }
0x12: {  	s1 =	sld [smem:$0x3F8F];
	s0 =	simm.s32 @p0 $0x1  }
0x13: {  	[smem:$0x3FAA] =	sst s0;
	s0 =	simm.s32 @!p1 $0x0  }
0x14: {  	s2 =	sld [smem:$0x3F8E];
	s0 =	simm.s32 @p1 $0x1  }
0x15: {  	[smem:$0x3FAB] =	sst s0;
	s0 =	simm.s32 @!p2 $0x0  }
0x16: {  	s3 =	sld [smem:$0x3FDB];
	s0 =	simm.s32 @p2 $0x1  }
0x17: {  	s4 =	simm.s32 $0x1BF5;
	[smem:$0x3FAD] =	sst s0  }
0x18: {  	s0 =	sld [smem:$0x3F90];
	_ =	swait.ge [sflag:s4], $0x0  }
0x19: {  	s7 =	sld [smem:$0x3F91]  }
0x1a: {  	s8 =	sadd.s32 $0xFFFFE003, lr  }
0x1b: {  	s9 =	sadd.s32 $0xFFFFFEF7, lr;
	s5 =	simm.s32 $0xFFFFFFFF;
	p2 =	slt.u32 s8, $0xFFFFF086  }
0x1c: {  	p1 =	slt.u32 s9, $0xF7A;
	s5 =	simm.s32 @!p2 $0x0  }
0x1d: {  	s5 =	simm.s32 @p1 $0x1;
	p0 =	seq.s32 s7, s2  }
0x1e: {  	s7 =	smul.u32 @!p0 $0xF7A, s2;
	p2 =	seq.s32 @!p0 s5, $0x0  }
0x1f: {  	s9 =	smul.u32 $0xF7A, s1;
	s8 =	simm.s32 @!p0 $0x1BF5;
	p2 =	por !p2, p0  }
0x20: {  	[sflag:s8] =	ssyncset.s32 @!p0 $0xFFFFF086;
	s6 =	sadd.s32 @!p0 s3, s7;
	s7 =	simm.s32 @!p0 $0x108  }
0x21: {  	s3 =	sadd.s32 s3, s9;
	s6 =	sadd.s32 @!p0 $0x88, s6;
	s7 =	simm.s32 @p2 $0x1082  }
0x22: {  	[simem:s7], [sflag:s8] =	dma.local @!p0 [hbm:s6], $0xF7A  }
0x23: {  	s9 =	sor.u32 $0xD0000000, s2;
	s6 =	simm.s32 $0x108;
	_ =	swait.ge @!p0 [sflag:s8], $0x0  }
0x24: {  	s3 =	sadd.s32 $0x88, s3;
	s6 =	simm.s32 @!p1 $0x1082;
	[sflag:s4] =	ssyncset.s32 $0xFFFFF086  }
0x25: {  	[simem:s6], [sflag:s4] =	dma.local [hbm:s3], $0xF7A  }
0x26: {  	[smem:$0x3F91] =	sst s1;
	(tag) =	ssettag s2;
	_ =	strace s9  }
0x27: {  	s1 =	sld [smem:$0x3FA1]  }
0x28: {  	s2 =	sld [smem:$0x3FA2]  }
0x29: {  	s4 =	sld [smem:$0x3FA4]  }
0x2a: {  	p0 =	seq.s32 s5, $0x0;
	s5 =	sld [smem:$0x3FA5]  }
0x2b: {  	s6 =	sld [smem:$0x3FA6]  }
0x2c: {  	s7 =	sld [smem:$0x3FA7]  }
0x2d: {  	s3 =	simm.s32 $0x108;
	s8 =	sld [smem:$0x3FA8]  }
0x2e: {  	s3 =	simm.s32 @!p0 $0x1082;
	s9 =	sld [smem:$0x3FA9]  }
0x2f: {  	lr =	sadd.s32 s0, s3;
	s0 =	sld [smem:$0x3FA0]  }
0x30: {  	s3 =	sld [smem:$0x3FA3]  }
0x31: {  	[smem:$0x3FAC] =	sst s10  }
0x32: {  	s10 =	sld [smem:$0x3FAA];
	_ =	sdelay $0x3  }
0x33: {  	p0 =	seq.s32 s10, $0x1;
	s10 =	sld [smem:$0x3FAC];
	_ =	sdelay $0x3  }
0x34: {  	[smem:$0x3FAC] =	sst s10  }
0x35: {  	s10 =	sld [smem:$0x3FAB];
	_ =	sdelay $0x3  }
0x36: {  	p1 =	seq.s32 s10, $0x1;
	s10 =	sld [smem:$0x3FAC];
	_ =	sdelay $0x3  }
0x37: {  	[smem:$0x3FAC] =	sst s10  }
0x38: {  	s10 =	sld [smem:$0x3FAD]  }
0x39: {  	_ = 	snop;
	(pc) =	sbr.ind lr, $3  }
0x3a: {  	_ = 	snop  }
0x3b: {  	_ = 	snop  }
0x3c: {  	p2 =	seq.s32 s10, $0x1;
	s10 =	sld [smem:$0x3FAC]  }
0x3d: {  	_ =	shalt  }
0x3e: {  	_ =	shalt  }
0x3f: {  	_ =	shalt  }
0x40: {  	_ =	shalt  }
0x41: {  	_ =	shalt  }
0x42: {  	_ =	shalt  }
0x43: {  	_ =	shalt  }
0x44: {  	_ =	shalt  }
0x45: {  	_ =	shalt  }
0x46: {  	_ =	shalt  }
0x47: {  	_ =	shalt  }
0x48: {  	_ =	shalt  }
0x49: {  	_ =	shalt  }
0x4a: {  	_ =	shalt  }
0x4b: {  	_ =	shalt  }
0x4c: {  	_ =	shalt  }
0x4d: {  	_ =	shalt  }
0x4e: {  	_ =	shalt  }
0x4f: {  	_ =	shalt  }
0x50: {  	_ =	shalt  }
0x51: {  	_ =	shalt  }
0x52: {  	_ =	shalt  }
0x53: {  	_ =	shalt  }
0x54: {  	_ =	shalt  }
0x55: {  	_ =	shalt  }
0x56: {  	_ =	shalt  }
0x57: {  	_ =	shalt  }
0x58: {  	_ =	shalt  }
0x59: {  	_ =	shalt  }
0x5a: {  	_ =	shalt  }
0x5b: {  	_ =	shalt  }
0x5c: {  	_ =	shalt  }
0x5d: {  	_ =	shalt  }
0x5e: {  	_ =	shalt  }
0x5f: {  	_ =	shalt  }
0x60: {  	_ =	shalt  }
0x61: {  	_ =	shalt  }
0x62: {  	_ =	shalt  }
0x63: {  	_ =	shalt  }
0x64: {  	_ =	shalt  }
0x65: {  	_ =	shalt  }
0x66: {  	_ =	shalt  }
0x67: {  	_ =	shalt  }
0x68: {  	_ =	shalt  }
0x69: {  	_ =	shalt  }
0x6a: {  	_ =	shalt  }
0x6b: {  	_ =	shalt  }
0x6c: {  	_ =	shalt  }
0x6d: {  	_ =	shalt  }
0x6e: {  	_ =	shalt  }
0x6f: {  	_ =	shalt  }
0x70: {  	_ =	shalt  }
0x71: {  	_ =	shalt  }
0x72: {  	_ =	shalt  }
0x73: {  	_ =	shalt  }
0x74: {  	_ =	shalt  }
0x75: {  	_ =	shalt  }
0x76: {  	_ =	shalt  }
0x77: {  	_ =	shalt  }
0x78: {  	_ =	shalt  }
0x79: {  	_ =	shalt  }
0x7a: {  	_ =	shalt  }
0x7b: {  	_ =	shalt  }
0x7c: {  	_ =	shalt  }
0x7d: {  	_ =	shalt  }
0x7e: {  	_ =	shalt  }
0x7f: {  	_ =	shalt  }
0x80: {  	_ =	shalt  }
0x81: {  	_ =	shalt  }
0x82: {  	_ =	shalt  }
0x83: {  	_ =	shalt  }
0x84: {  	_ =	shalt  }
0x85: {  	_ =	shalt  }
0x86: {  	_ =	shalt  }
0x87: {  	_ =	shalt  }
.Lfunc_end0:
.L_simem_size_0:
called_computation_lowered:
.L_overlay_start_0:
0x88: {  	s2 =	sld [smem:$0x3FD9]  }
0x89: {  	s3 =	sld [smem:$0x3FFE];
	_ =	sdelay $0x1  }
0x8a: {  	s1 =	srdreg.scid  }
0x8b: {  	s0 =	sand.u32 $0x1, s1  }
0x8c: {  	s14 =	sshll.u32 s0, $0xA;
	s2 =	sadd.s32 s3, s2  }
0x8d: {  	s2 =	sadd.s32 s2, s14  }
0x8e: {  	[smem:$0x3FB8] =	sst s2  }
0x8f: {  	_ = 	snop  }
0x90: {  	s2 =	sld [smem:$0x3FD0];
	_ =	sdelay $0x2  }
0x91: {  	s4 =	simm.s32 $0xA;
	s5 =	simm.s32 $0x10;
	s15 =	sld [smem:$0x3FC9]  }
0x92: {  	[smem:s5], [sflag:s4] =	dma.local [hbm:s2], $0x1  }
0x93: {  	_ =	swait.eq [sflag:s4], $0x1  }
0x94: {  	[sflag:s4] =	ssyncset.done $0x0  }
0x95: {  	[sflag:s4] =	ssyncadd.s32 $0xFFFFFFFF  }
0x96: {  	s16 =	sld [smem:$0x11];
	(tm) =	ssettm $0x1  }
0x97: {  	s17 =	sld [smem:$0x3FFB];
	_ =	sdelay $0x3  }
0x98: {  	_ =	strace s17  }
0x99: {  	s4 =	sld [smem:$0x3FFC];
	_ =	sdelay $0x3  }
0x9a: {  	_ =	strace s4  }
0x9b: {  	s4 =	sld [smem:$0x3FFD];
	_ =	sdelay $0x3  }
0x9c: {  	_ =	strace s4  }
0x9d: {  	_ =	strace $0x8FFFFFFF  }
0x9e: {  	s18 =	sld [smem:$0x3FDB];
	_ =	sdelay $0x1  }
0x9f: {  	s19 =	simm.s32 $_scs_section_size  }
0xa0: {  	s6 =	simm.s32 $_size__tile_overlayer_lowered;
	s7 =	simm.s32 $_tile_overlayer_lowered  }
0xa1: {  	s22 =	simm.s32 $0x1BFF;
	s21 =	sshll.u32 s7, $0x1;
	s4 =	sadd.s32 s19, s18  }
0xa2: {  	s8 =	simm.s32 $0x0;
	s20 =	sshll.u32 s6, $0x1;
	s6 =	sadd.s32 s21, s4  }
0xa3: {  	[timem:s8], [sflag:s22] =	dma.local [hbm:s6], s20  }
0xa4: {  	_ =	swait.ge [sflag:s22], s20  }
0xa5: {  	s5 =	ssub.s32 $0x0, s20;
	[sflag:s22] =	ssyncset.done $0x0  }
0xa6: {  	[sflag:s22] =	ssyncadd.s32 s5;
	_ =	sdelay $0x1  }
0xa7: {  	s23 =	simm.s32 $0x1B8B  }
0xa8: {  	_ =	swait.ge [sflag:s23], $0x1  }
0xa9: {  	[sflag:s23] =	ssyncset.done $0x0  }
0xaa: {  	s25 =	simm.s32 $0x1B8E;
	s24 =	sld [smem:$0x3FFE];
	[sflag:s23] =	ssyncadd.s32 $0xFFFFFFFF  }
0xab: {  	s26 =	simm.s32 $execute0_lowered;
	[smem:$0x3FD2] =	sst s25  }
0xac: {  	s6 =	sshll.u32 s26, $0x1;
	_ =	strace $0x80000046;
	[dreg:$0x1] =	wrdreg $0xFFFFFFFF  }
0xad: {  	s28 =	simm.s32 $_size_execute0_lowered;
	s4 =	sadd.s32 s4, s6;
	[dreg:$0x0] =	wrdreg $0x0  }
0xae: {  	s6 =	sshll.u32 s28, $0x1;
	[dreg:$0x2] =	wrdreg s4  }
0xaf: {  	[dreg:$0x3] =	wrdreg s6  }
0xb0: {  	[dreg:$0x4] =	wrdreg $0xC0  }
0xb1: {  	_ =	task [dreg:s8], $0x5FFFF  }
0xb2: {  	[dreg:$0x1] =	wrdreg $0xFFFFFFFF  }
0xb3: {  	[dreg:$0x0] =	wrdreg $0x60  }
0xb4: {  	[dreg:$0x2] =	wrdreg s15  }
0xb5: {  	[dreg:$0x3] =	wrdreg s16  }
0xb6: {  	[dreg:$0x4] =	wrdreg s24  }
0xb7: {  	[dreg:$0x5] =	wrdreg $0x83000  }
0xb8: {  	[dreg:$0x6] =	wrdreg $0x9  }
0xb9: {  	_ =	task.clear_ibuf [dreg:s8], $0x7FFFF;
	_ =	strace $0x90000046  }
0xba: {  	s29 =	simm.s32 $0x9;
	_ =	strace $0x80000048  }
0xbb: {  	_ =	swait.ge [sflag:s29], $0x1  }
0xbc: {  	[sflag:s29] =	ssyncadd.s32 $0xFFFFFFFF  }
0xbd: {  	_ =	strace $0x90000048  }
0xbe: {  	_ =	sfence  }
0xbf: {  	s30 =	sld [smem:$0x0];
	_ =	sdelay $0x2  }
0xc0: {  	s31 =	sshll.u32 s1, $0xD;
	s1 =	sshrl.u32 s1, $0x2  }
0xc1: {  	s3 =	sand.u32 $0x4000, s31;
	s1 =	sadd.s32 s1, s30  }
0xc2: {  	s0 =	sor.u32 s3, s0;
	s1 =	sshll.u32 s1, $0x11  }
0xc3: {  	s0 =	sor.u32 s1, s0  }
0xc4: {  	s0 =	sadd.s32 $0x8F2B, s0  }
0xc5: {  	[sflag:s0] =	ssyncadd.remote.s32 $0x1  }
0xc6: {  	_ =	sfence.sel $0xFFFF  }
0xc7: {  	[dreg:$0x0] =	wrdreg $0xFFFFFFFF;
	(pc) =	sbr.abs _section_cstart, $3  }
0xc8: {  	[dreg:$0x1] =	wrdreg $0xFFFFFFFF  }
0xc9: {  	_ =	task.clear_ibuf [dreg:s8], $0x2FFFF;
	_ =	strace $0x9FFFFFFF  }
0xca: {  	(tm) =	ssettm $0x7FFFFFFF  }
0xcb: {  	_ =	shalt  }
tec
execute0_lowered:
.L_overlay_start_1:
0x0: {  	(tag) =	ssettag $0x1  }
0x1: {  	s0 =	rddreg [dreg:$0x0]  }
0x2: {  	s2 =	rddreg [dreg:$0x1]  }
0x3: {  	s1 =	srdreg.scid;
	s10 =	stileid.u32  }
0x4: {  	s3 =	rddreg [dreg:$0x2];
	s7 =	smul.u32 $0x13C00, s10  }
0x5: {  	s4 =	rddreg [dreg:$0x3];
	s5 =	simm.s32 $0x0;
	s22 =	smul.u32 $0x1C, s10  }
0x6: {  	s17 =	simm.s32 $0x3;
	s19 =	simm.s32 $0x80;
	s8 =	smul.u32 $0x82, s10  }
0x7: {  	s1 =	sand.u32 $0x1, s1;
	[smem:$0x7FF] =	sst s5;
	s24 =	smul.u32 $0x4F000, s10  }
0x8: {  	s21 =	simm.s32 $0x4300;
	s6 =	smul.u32 $0x13C000, s1;
	_ =	strace $0x80000047  }
0x9: {  	s9 =	ssub.s32 $0x2, s1;
	p0 =	seq.s32 s1, $0x0;
	s1 =	sadd.s32 $0x820, s22  }
0xa: {  	s23 =	sshrl.u32 s9, $0x1;
	s26 =	sshrl.u32 s24, $0x2;
	s22 =	simm.s32 $0x1  }
0xb: {  	s6 =	sadd.s32 s7, s6;
	s15 =	ssub.s32 s9, s23;
	s9 =	sadd.s32 s26, s4  }
0xc: {  	s1 =	smov.u32 @p0 s8;
	s23 =	simm.s32 $0x0;
	s28 =	sadd.s32 $0x4000, s9  }
0xd: {  	s6 =	sshrl.u32 s6, $0x3;
	s29 =	sadd.s32 $0x8000, s9;
	[dreg:$0x7] =	wrdreg s28  }
0xe: {  	s25 =	sshll.u32 s1, $0x5;
	s30 =	sadd.s32 $0xC000, s9;
	[dreg:$0x8] =	wrdreg s29  }
0xf: {  	s31 =	sadd.s32 $0x10000, s9;
	s1 =	sshll.u32 s1, $0x8;
	[dreg:$0x9] =	wrdreg s30  }
0x10: {  	s15 =	smax.u32 s15, $0x1;
	s7 =	sadd.s32 s2, s25;
	[dreg:$0xa] =	wrdreg s31  }
0x11: {  	s3 =	sadd.s32 s6, s3;
	[dreg:$0x5] =	wrdreg s7;
	s7 =	sadd.s32 $0x20, s7  }
0x12: {  	s6 =	simm.s32 $0x82;
	s3 =	sadd.s32 $0x3200, s3;
	[dreg:$0x6] =	wrdreg s7  }
0x13: {  	v0 =	vimm.f32 $0.0e+00;
	s16 =	sadd.s32 $0x200, s1;
	s6 =	simm.s32 @!p0 $0x1C;
	[dreg:$0xb] =	wrdreg s3  }
.LBB2_1:
0x14: {  	s1 =	rddreg [dreg:$0x5]  }
0x15: {  	[tilespmem:s5], [sflag:$0x3] =	stream.linear.gather [hbm4b:s1+s5], $0x100, $0x38;
	[tilespmem:$0x1BF00] =	vst v63  }
0x16: {  	_ =	swait.ge [sflag:s17], $0x100  }
0x17: {  	[sflag:s17] =	ssyncset.done $0x0  }
0x18: {  	s3 =	simm.s32 $0x100;
	s30 =	rddreg [dreg:$0x6];
	[sflag:s17] =	ssyncadd.s32 $0xFFFFFF00  }
0x19: {  	[tilespmem:s3], [sflag:$0x2] =	stream.linear.gather [hbm4b:s30+s5], $0x100, $0x38;
	[tilespmem:$0x1BF00] =	vst v63  }
0x1a: {  	s31 =	simm.s32 $0x300;
	s24 =	simm.s32 $0x0;
	s25 =	simm.s32 $0x200  }
0x1b: {  	[tilespmem:s31], [sflag:$0x1] =	stream.indirect.gather [hbm4b:s0+s19], $0x80, s5, s19, $0xb8;
	[tilespmem:$0x1BF00] =	vst v63  }
.LBB2_2:
0x1c: {  	p0 =	sne.s32 s25, $0xFE00;
	[tilespmem:s24+$0x4370] =	vst v0  }
0x1d: {  	[tilespmem:s24+$0x4300] =	vst v0  }
0x1e: {  	[tilespmem:s24+$0x4310] =	vst v0  }
.Ltmp0:
0x1f: {  	[tilespmem:s24+$0x4320] =	vst v0;
	(pc) =	sbr.rel @p0 .LBB2_2-.Ltmp0, $4  }
0x20: {  	[tilespmem:s24+$0x4330] =	vst v0  }
0x21: {  	[tilespmem:s24+$0x4340] =	vst v0  }
0x22: {  	[tilespmem:s24+$0x4350] =	vst v0  }
0x23: {  	[tilespmem:s24+$0x4360] =	vst v0;
	s24 =	sshra.s32 s25, $0x2;
	s25 =	sadd.s32 $0x200, s25  }
0x24: {  	[tilespmem:s24+$0x4370] =	vst v0  }
0x25: {  	[tilespmem:s24+$0x4300] =	vst v0  }
0x26: {  	[tilespmem:s24+$0x4310] =	vst v0  }
0x27: {  	[tilespmem:s24+$0x4320] =	vst v0  }
0x28: {  	[tilespmem:s24+$0x4330] =	vst v0  }
0x29: {  	[tilespmem:s24+$0x4340] =	vst v0  }
0x2a: {  	[tilespmem:s24+$0x4350] =	vst v0  }
0x2b: {  	[tilespmem:s24+$0x4360] =	vst v0  }
0x2c: {  	[spmem:s9] =	stream.linear.scatter [tilespmem:s21], [sflag:$0x3], $0x4000, $0x38;
	[tilespmem:$0x1BF00] =	vst v63  }
0x2d: {  	_ =	swait.ge [sflag:s17], $0x4000  }
0x2e: {  	[sflag:s17] =	ssyncset.done $0x0  }
0x2f: {  	s1 =	rddreg [dreg:$0x7];
	[sflag:s17] =	ssyncadd.s32 $0xFFFFC000  }
0x30: {  	[spmem:s1] =	stream.linear.scatter [tilespmem:s21], [sflag:$0x3], $0x4000, $0x38;
	[tilespmem:$0x1BF00] =	vst v63  }
0x31: {  	_ =	swait.ge [sflag:s17], $0x4000  }
0x32: {  	[sflag:s17] =	ssyncset.done $0x0  }
0x33: {  	s11 =	rddreg [dreg:$0x8];
	[sflag:s17] =	ssyncadd.s32 $0xFFFFC000  }
0x34: {  	[spmem:s11] =	stream.linear.scatter [tilespmem:s21], [sflag:$0x3], $0x4000, $0x38;
	[tilespmem:$0x1BF00] =	vst v63  }
0x35: {  	s14 =	simm.s32 $0x0;
	s3 =	simm.s32 $0x2;
	_ =	swait.ge [sflag:s17], $0x4000  }
0x36: {  	s29 =	simm.s32 $0x1;
	s24 =	simm.s32 $0x1;
	[sflag:s17] =	ssyncset.done $0x0  }
0x37: {  	p0 =	sne.s32 s6, $0x1;
	s12 =	rddreg [dreg:$0x9];
	[sflag:s17] =	ssyncadd.s32 $0xFFFFC000  }
0x38: {  	[spmem:s12] =	stream.linear.scatter [tilespmem:s21], [sflag:$0x3], $0x4000, $0x38;
	[tilespmem:$0x1BF00] =	vst v63  }
0x39: {  	s25 =	simm.s32 $0x180;
	s26 =	simm.s32 $0x200;
	_ =	swait.ge [sflag:s17], $0x4000  }
0x3a: {  	s28 =	simm.s32 $0x2;
	p1 =	sle.u32 s6, $0x2;
	[sflag:s17] =	ssyncset.done $0x0  }
0x3b: {  	s30 =	smulhi.u32 $0xAAAAAAAB, s14;
	s13 =	rddreg [dreg:$0xa];
	[sflag:s17] =	ssyncadd.s32 $0xFFFFC000  }
0x3c: {  	[spmem:s13] =	stream.linear.scatter [tilespmem:s21], [sflag:$0x3], $0x3C00, $0x38;
	[tilespmem:$0x1BF00] =	vst v63  }
0x3d: {  	p2 =	sle.u32 s6, $0x1;
	s29 =	smulhi.u32 $0xAAAAAAAB, s29;
	_ =	swait.ge [sflag:s17], $0x3C00  }
0x3e: {  	s3 =	smulhi.u32 $0xAAAAAAAB, s3;
	s31 =	simm.s32 @!p1 $0x0;
	[sflag:s17] =	ssyncset.done $0x0  }
0x3f: {  	s18 =	simm.s32 @!p2 $0x2;
	s20 =	sshrl.u32 @!p1 s16, $0x3;
	[sflag:s17] =	ssyncadd.s32 $0xFFFFC400  }
0x40: {  	s10 =	simm.s32 @!p2 $0x80;
	s29 =	sshrl.u32 s29, $0x1;
	[bflag:$0x0] =	sbarrier.arrive $0xFFFF  }
0x41: {  	s3 =	sshrl.u32 s3, $0x1;
	s29 =	smul.u32 $0xFFFFF400, s29;
	_ =	swait.ge [sflag:s22], $0x4000  }
0x42: {  	s3 =	smul.u32 $0xFFFFF400, s3;
	s1 =	sand.u32 $0x1, s14;
	[sflag:s22] =	ssyncset.done $0x0  }
0x43: {  	s30 =	sshrl.u32 s30, $0x1;
	s8 =	sshll.u32 @!p2 s1, $0xE;
	[sflag:s22] =	ssyncadd.s32 $0xFFFFC000  }
0x44: {  	s29 =	sshra.s32 s29, $0x2;
	s3 =	sshra.s32 s3, $0x2;
	_ =	swait.ge @!p2 [sflag:s18], $0x100  }
0x45: {  	s1 =	sshll.u32 s1, $0xE;
	s29 =	sadd.s32 $0x100, s29;
	[sflag:s18] =	ssyncset.done @!p2 $0x0  }
0x46: {  	s8 =	sxor.u32 @!p2 $0x4300, s8;
	[sflag:s18] =	ssyncadd.s32 @!p2 $0xFFFFFF00;
	s18 =	smul.u32 $0xFFFFF400, s30  }
.Ltmp1:
0x47: {  	s3 =	sadd.s32 $0x200, s3;
	s1 =	sor.u32 $0x300, s1;
	(pc) =	sbr.rel @!p0 .LBB2_5-.Ltmp1, $4  }
0x48: {  	[tilespmem:s8], [sflag:$0x1] =	stream.indirect.gather @!p2 [hbm4b:s0+s10], $0x80, s29, s10, $0xb8;
	[tilespmem:$0x1BF00] =	vst v63  }
0x49: {  	s30 =	simm.s32 $0x3;
	s10 =	sadd.s32 @!p1 s2, s20;
	s20 =	sshra.s32 s18, $0x2  }
0x4a: {  	[tilespmem:s3], [sflag:$0x2] =	stream.linear.gather @!p1 [hbm4b:s10+s31], $0x100, $0x38;
	[tilespmem:$0x1BF00] =	vst v63  }
0x4b: {  	s29 =	simm.s32 $0x300;
	s3 =	sadd.s32 $0x80, s20;
	s31 =	sadd.s32 $0x100, s16  }
.LBB2_4:
0x4c: {  	[spmem:s4] =	stream.indirect.scatter.add.f32 [tilespmem:s1], [sflag:$0x3], $0x80, s3, s19, $0xb8;
	[tilespmem:$0x1BF00] =	vst v63  }
0x4d: {  	s1 =	smov.u32 s24;
	s24 =	sadd.s32 $0x1, s24;
	_ =	swait.ge [sflag:s17], $0x4000  }
0x4e: {  	s3 =	smov.u32 s25;
	p0 =	sne.s32 s6, s24;
	[sflag:s17] =	ssyncset.done $0x0  }
0x4f: {  	s8 =	smov.u32 s26;
	s10 =	smov.u32 s28;
	[sflag:s17] =	ssyncadd.s32 $0xFFFFC000  }
0x50: {  	s25 =	sadd.s32 $0x100, s25;
	s11 =	smulhi.u32 $0xAAAAAAAB, s30  }
0x51: {  	s26 =	sadd.s32 $0x100, s26;
	s28 =	sadd.s32 $0x1, s28;
	s18 =	smulhi.u32 $0xAAAAAAAB, s1  }
0x52: {  	s10 =	smulhi.u32 $0xAAAAAAAB, s10;
	s20 =	sand.u32 $0x1, s1;
	s1 =	sadd.s32 $0x2, s1  }
0x53: {  	p2 =	sge.u32 s24, s6;
	p1 =	sge.u32 s1, s6;
	_ =	swait.ge [sflag:s22], $0x4000  }
0x54: {  	s12 =	simm.s32 @!p2 $0x2;
	s1 =	sshrl.u32 s10, $0x1;
	s10 =	simm.s32 @!p1 $0x0  }
0x55: {  	s11 =	sshrl.u32 s11, $0x1;
	s7 =	sshrl.u32 @!p1 s31, $0x3;
	s1 =	smul.u32 $0xFFFFF400, s1  }
0x56: {  	s13 =	sshll.u32 @!p2 s20, $0xE;
	s14 =	simm.s32 @!p2 $0x80;
	[sflag:s22] =	ssyncset.done $0x0  }
0x57: {  	s11 =	smul.u32 $0xFFFFF400, s11;
	s7 =	sadd.s32 @!p1 s2, s7;
	s1 =	sshra.s32 s1, $0x2  }
0x58: {  	s1 =	sadd.s32 s1, s8;
	s8 =	sxor.u32 @!p2 $0x4300, s13;
	[sflag:s22] =	ssyncadd.s32 $0xFFFFC000  }
0x59: {  	s11 =	sshra.s32 s11, $0x2;
	s13 =	sshrl.u32 s18, $0x1;
	_ =	swait.ge @!p2 [sflag:s12], $0x100  }
0x5a: {  	s11 =	sadd.s32 s11, s29;
	s13 =	smul.u32 $0xFFFFF400, s13;
	[sflag:s12] =	ssyncset.done @!p2 $0x0  }
.Ltmp2:
0x5b: {  	s18 =	sshll.u32 s20, $0xE;
	[sflag:s12] =	ssyncadd.s32 @!p2 $0xFFFFFF00;
	(pc) =	sbr.rel @p0 .LBB2_4-.Ltmp2, $4  }
0x5c: {  	[tilespmem:s8], [sflag:$0x1] =	stream.indirect.gather @!p2 [hbm4b:s0+s14], $0x80, s1, s14, $0xb8;
	[tilespmem:$0x1BF00] =	vst v63  }
0x5d: {  	s30 =	sadd.s32 $0x1, s30;
	s29 =	sadd.s32 $0x100, s29;
	s1 =	sshra.s32 s13, $0x2  }
0x5e: {  	[tilespmem:s11], [sflag:$0x2] =	stream.linear.gather @!p1 [hbm4b:s7+s10], $0x100, $0x38;
	[tilespmem:$0x1BF00] =	vst v63  }
0x5f: {  	s31 =	sadd.s32 $0x100, s31;
	s3 =	sadd.s32 s1, s3;
	s1 =	sor.u32 $0x300, s18  }
.LBB2_5:
0x60: {  	[spmem:s4] =	stream.indirect.scatter.add.f32 [tilespmem:s1], [sflag:$0x3], $0x80, s3, s19, $0xb8;
	[tilespmem:$0x1BF00] =	vst v63  }
0x61: {  	_ =	swait.ge [sflag:s17], $0x4000  }
0x62: {  	s30 =	stileid.u32;
	[sflag:s17] =	ssyncset.done $0x0  }
0x63: {  	s31 =	sshrl.u32 s9, $0x3;
	s23 =	sadd.s32 $0x1, s23;
	[sflag:s17] =	ssyncadd.s32 $0xFFFFC000  }
0x64: {  	s1 =	sshll.u32 s30, $0x6;
	p0 =	sne.s32 s23, s15;
	[bflag:$0x0] =	sbarrier.arrive $0xFFFF  }
.Ltmp3:
0x65: {  	s1 =	sor.u32 $0x1C03, s1;
	s7 =	rddreg [dreg:$0xb];
	(pc) =	sbr.rel @p0 .LBB2_1-.Ltmp3, $4  }
0x66: {  	[hbm:s7], [sflag:s1] =	dma.local [spmem:s31], $0x2780  }
0x67: {  	_ =	swait.ge [sflag:s17], $0x2780  }
0x68: {  	[sflag:s17] =	ssyncset.done $0x0  }
0x69: {  	[sflag:s17] =	ssyncadd.s32 $0xFFFFD880  }
0x6a: {  	_ =	sfence.sel $0x180000  }
0x6b: {  	[bflag:$0x0] =	sbarrier.arrive $0xFFFF  }
0x6c: {  	_ =	strace $0x90000047  }
0x6d: {  	s0 =	stileid.u32;
	[bflag:$0x2] =	sbarrier.arrive $0xFFFF  }
0x6e: {  	p0 =	sne.s32 s0, $0x0;
	s0 =	rddreg [dreg:$0x4]  }
0x6f: {  	s0 =	sadd.s32 @!p0 $0x100000, s0  }
0x70: {  	[sflag:s0] =	ssyncadd.tile.s32 @!p0 $0x1;
	_ =	shalt  }
.Lfunc_end2:
_tile_overlayer_lowered:
.L_overlay_start_2:
0x71: {  	(tag) =	ssettag $0x2  }
0x72: {  	s0 =	rddreg [dreg:$0x0];
	s2 =	stileid.u32  }
0x73: {  	s1 =	rddreg [dreg:$0x1];
	p0 =	sne.s32 s2, $0x0  }
0x74: {  	s3 =	rddreg [dreg:$0x2];
	[bflag:$0x3] =	sbarrier.arrive $0xFFFF;
	s2 =	simm.s32 @!p0 $0x1C03  }
0x75: {  	[timem:s3], [sflag:s2] =	dma.local @!p0 [hbm:s0], s1  }
0x76: {  	s0 =	simm.s32 @!p0 $0x3  }
0x77: {  	_ =	swait.ge @!p0 [sflag:s0], s1  }
0x78: {  	s1 =	ssub.s32 @!p0 $0x0, s1;
	[sflag:s0] =	ssyncset.done @!p0 $0x0  }
0x79: {  	[sflag:s0] =	ssyncadd.s32 @!p0 s1  }
0x7a: {  	[bflag:$0x3] =	sbarrier.arrive $0xFFFF  }
0x7b: {  	_ =	shalt  }

</sc_bundles>
